<compile_context>
chip_gen: v7x
topology: tpu7x:2x2x1
jax: 0.10.2.dev20260603
libtpu: 0.0.44.dev20260713+nightly
codegen_flags: <defaults>
</compile_context>

<pallas_src>
import functools

import jax
import jax.numpy as jnp
from jax import lax
from jax.experimental import pallas as pl
from jax.experimental.pallas import tpu as pltpu
from jax.experimental.pallas import tpu_sc as plsc

N = 10000
E = 320000
D = 128
NP = 10240
NC = 2
NS = 16
NW = NC * NS
K = 128
NREAL = 78
TAIL0 = NREAL * K * NW
TAILN = E - TAIL0
ROWS_PER_TILE = NP // NS


def _sc_body(x_hbm, edges_hbm, agg_out, cnt_out,
             agg_sh, cnt_sh, ebuf0, ebuf1, dscr0, dscr1, rows0, rows1,
             ebuf_t, sidx_t, didx_t, rows_t, ones_v, zcnt,
             gsem0, gsem1, ssem0, ssem1, csem0, csem1, isem0, isem1):
    cid = lax.axis_index("c")
    sid = lax.axis_index("s")
    wid = sid * NC + cid

    z16 = jnp.zeros((16,), jnp.float32)

    def _zr(i, _):
        for j in range(8):
            rows0[i, pl.ds(j * 16, 16)] = z16
        return 0
    lax.fori_loop(0, K, _zr, 0)

    def _zc(i, _):
        zcnt[pl.ds(i * 16, 16)] = z16
        return 0
    lax.fori_loop(0, ROWS_PER_TILE // 16, _zc, 0)

    for j in range(K // 16):
        ones_v[pl.ds(j * 16, 16)] = jnp.ones((16,), jnp.float32)

    row0 = sid * ROWS_PER_TILE
    for t in range(ROWS_PER_TILE // K):
        pltpu.sync_copy(rows0, agg_sh.at[pl.ds(row0 + t * K, K)])
    pltpu.sync_copy(zcnt, cnt_sh.at[pl.ds(row0, ROWS_PER_TILE)])
    plsc.subcore_barrier()

    def _idx_ref(j):
        off = pl.multiple_of((wid * NREAL + j) * K, K)
        return edges_hbm.at[:, pl.ds(off, K)]

    def _idx_start(j, ebuf, sem):
        pltpu.async_copy(_idx_ref(j), ebuf, sem)

    def _idx_wait(j, ebuf, sem):
        pltpu.make_async_copy(_idx_ref(j), ebuf, sem).wait()

    def _gather_start(ebuf, rows, sem):
        pltpu.async_copy(x_hbm.at[ebuf.at[0]], rows, sem)

    def _gather_wait(ebuf, rows, sem):
        pltpu.make_async_copy(x_hbm.at[ebuf.at[0]], rows, sem).wait()

    def _scatter_start(rows, dscr, ebuf, ssem, csem):
        for t in range(K // 16):
            dscr[pl.ds(t * 16, 16)] = ebuf[1, pl.ds(t * 16, 16)]
        pltpu.async_copy(rows, agg_sh.at[dscr], ssem, add=True)
        pltpu.async_copy(ones_v, cnt_sh.at[dscr], csem, add=True)

    def _scatter_wait(rows, dscr, ssem, csem):
        pltpu.make_async_copy(rows, agg_sh.at[dscr], ssem).wait()
        pltpu.make_async_copy(ones_v, cnt_sh.at[dscr], csem).wait()

    _idx_start(0, ebuf0, isem0)
    _idx_wait(0, ebuf0, isem0)
    _gather_start(ebuf0, rows0, gsem0)
    _idx_start(1, ebuf1, isem1)

    _gather_wait(ebuf0, rows0, gsem0)
    _scatter_start(rows0, dscr0, ebuf0, ssem0, csem0)
    _idx_start(2, ebuf0, isem0)
    _idx_wait(1, ebuf1, isem1)
    _gather_start(ebuf1, rows1, gsem1)

    def _half(j, ebuf_c, dscr_c, rows_c, gsem_c, ssem_c, csem_c, isem_c,
              ebuf_o, dscr_o, rows_o, gsem_o, ssem_o, csem_o, isem_o,
              start_idx=True, start_gather=True):
        _gather_wait(ebuf_c, rows_c, gsem_c)
        _scatter_start(rows_c, dscr_c, ebuf_c, ssem_c, csem_c)
        if start_idx:
            _idx_start(j + 2, ebuf_c, isem_c)
        _scatter_wait(rows_o, dscr_o, ssem_o, csem_o)
        if start_gather:
            _idx_wait(j + 1, ebuf_o, isem_o)
            _gather_start(ebuf_o, rows_o, gsem_o)

    s0 = (ebuf0, dscr0, rows0, gsem0, ssem0, csem0, isem0)
    s1 = (ebuf1, dscr1, rows1, gsem1, ssem1, csem1, isem1)

    def _pair(i, _):
        j = 1 + 2 * i
        _half(j, *s1, *s0)
        _half(j + 1, *s0, *s1)
        return 0
    lax.fori_loop(0, 37, _pair, 0)

    _half(75, *s1, *s0)
    _half(76, *s0, *s1, start_idx=False)
    _half(77, *s1, *s0, start_idx=False, start_gather=False)
    _scatter_wait(rows1, dscr1, ssem1, csem1)

    pltpu.sync_copy(edges_hbm.at[:, pl.ds(TAIL0, TAILN)], ebuf_t)
    sidx_t[...] = ebuf_t[0, pl.ds(wid * 16, 16)]
    didx_t[...] = ebuf_t[1, pl.ds(wid * 16, 16)]
    pltpu.sync_copy(x_hbm.at[sidx_t], rows_t)
    pltpu.sync_copy(rows_t, agg_sh.at[didx_t], add=True)
    pltpu.sync_copy(ones_v.at[pl.ds(0, 16)], cnt_sh.at[didx_t], add=True)

    plsc.subcore_barrier()

    pltpu.sync_copy(agg_sh.at[pl.ds(row0, ROWS_PER_TILE)],
                    agg_out.at[cid, pl.ds(row0, ROWS_PER_TILE)])
    pltpu.sync_copy(cnt_sh.at[pl.ds(row0, ROWS_PER_TILE)],
                    cnt_out.at[cid, pl.ds(row0, ROWS_PER_TILE)])


@functools.cache
def _sc_segment_sum():
    return pl.kernel(
        _sc_body,
        out_type=(jax.ShapeDtypeStruct((NC, NP, D), jnp.float32),
                  jax.ShapeDtypeStruct((NC, NP), jnp.float32)),
        mesh=plsc.VectorSubcoreMesh(core_axis_name="c", subcore_axis_name="s",
                                    num_cores=NC, num_subcores=NS),
        scratch_types=(
            pltpu.VMEM_SHARED((NP, D), jnp.float32),
            pltpu.VMEM_SHARED((NP,), jnp.float32),
            pltpu.VMEM((2, K), jnp.int32),
            pltpu.VMEM((2, K), jnp.int32),
            pltpu.VMEM((K,), jnp.int32),
            pltpu.VMEM((K,), jnp.int32),
            pltpu.VMEM((K, D), jnp.float32),
            pltpu.VMEM((K, D), jnp.float32),
            pltpu.VMEM((2, TAILN), jnp.int32),
            pltpu.VMEM((16,), jnp.int32),
            pltpu.VMEM((16,), jnp.int32),
            pltpu.VMEM((16, D), jnp.float32),
            pltpu.VMEM((K,), jnp.float32),
            pltpu.VMEM((ROWS_PER_TILE,), jnp.float32),
            pltpu.SemaphoreType.DMA,
            pltpu.SemaphoreType.DMA,
            pltpu.SemaphoreType.DMA,
            pltpu.SemaphoreType.DMA,
            pltpu.SemaphoreType.DMA,
            pltpu.SemaphoreType.DMA,
            pltpu.SemaphoreType.DMA,
            pltpu.SemaphoreType.DMA,
        ),
    )


BLK = 2560


def _dense_body(x_ref, agg_ref, cnt_ref, wl_ref, wr_ref, bx_ref, bh_ref,
                wc_ref, bg_ref, h_ref, c_ref):
    X = x_ref[...]
    agg = agg_ref[0] + agg_ref[1]
    cnt = (cnt_ref[0] + cnt_ref[1])[:, None]
    mean = agg / jnp.maximum(cnt, 1.0)

    def gate(k):
        U = (jnp.dot(mean, wl_ref[k], preferred_element_type=jnp.float32)
             + jnp.dot(X, wr_ref[k], preferred_element_type=jnp.float32)
             + bx_ref[k])
        nrm = jnp.sqrt(jnp.sum(U * U, axis=1, keepdims=True))
        S = U / jnp.maximum(nrm, 1e-12)
        bhk = bh_ref[k]
        bnrm = jnp.sqrt(jnp.sum(bhk * bhk))
        return S + bhk / jnp.maximum(bnrm, 1e-12) + bg_ref[k]

    I = jax.nn.sigmoid(gate(0))
    T = jnp.tanh(gate(2))
    C = I * T
    O = jax.nn.sigmoid(gate(3) + wc_ref[2] * C)
    h_ref[...] = O * jnp.tanh(C)
    c_ref[...] = C


def kernel(X, edge_index, Wx_l, Wx_r, bx, Wh_l, Wh_r, bh, w_c, b_gate):
    del Wh_l, Wh_r
    edges = edge_index.astype(jnp.int32)
    agg2, cnt2 = _sc_segment_sum()(X, edges)

    H, C = pl.pallas_call(
        _dense_body,
        grid=(NP // BLK,),
        in_specs=[
            pl.BlockSpec((BLK, D), lambda i: (i, 0)),
            pl.BlockSpec((NC, BLK, D), lambda i: (0, i, 0)),
            pl.BlockSpec((NC, BLK), lambda i: (0, i)),
            pl.BlockSpec((4, D, D), lambda i: (0, 0, 0)),
            pl.BlockSpec((4, D, D), lambda i: (0, 0, 0)),
            pl.BlockSpec((4, D), lambda i: (0, 0)),
            pl.BlockSpec((4, D), lambda i: (0, 0)),
            pl.BlockSpec((3, D), lambda i: (0, 0)),
            pl.BlockSpec((4, D), lambda i: (0, 0)),
        ],
        out_specs=[
            pl.BlockSpec((BLK, D), lambda i: (i, 0)),
            pl.BlockSpec((BLK, D), lambda i: (i, 0)),
        ],
        out_shape=[
            jax.ShapeDtypeStruct((N, D), jnp.float32),
            jax.ShapeDtypeStruct((N, D), jnp.float32),
        ],
    )(X, agg2, cnt2, Wx_l, Wx_r, bx, bh, w_c, b_gate)
    return H, C

# --- scband reference (transcript-rebuilt; emitter-appended) ---
"""Pipeline reference for scband-gconv-lstm-31756988186753 (READ-ONLY COPY).

The authoritative reference and input builder live on the scoring server;
editing this copy changes nothing except your own understanding.
"""

import jax, jax.numpy as jnp
import numpy as np

N = 10000
E = 320000
D_IN = 128
D_OUT = 128


def setup_inputs(seed: int = 0):
    key = jax.random.key(seed)
    ks = jax.random.split(key, 8)
    X = jax.random.normal(ks[0], (N, D_IN), dtype=jnp.float32)
    edge_index = jax.random.randint(ks[1], (2, E), 0, N)
    s = 0.05
    Wx_l = jax.random.normal(ks[2], (4, D_IN, D_OUT), dtype=jnp.float32) * s
    Wx_r = jax.random.normal(ks[3], (4, D_IN, D_OUT), dtype=jnp.float32) * s
    bx = jnp.zeros((4, D_OUT), dtype=jnp.float32)
    Wh_l = jax.random.normal(ks[4], (4, D_OUT, D_OUT), dtype=jnp.float32) * s
    Wh_r = jax.random.normal(ks[5], (4, D_OUT, D_OUT), dtype=jnp.float32) * s
    bh = jnp.zeros((4, D_OUT), dtype=jnp.float32)
    w_c = jax.random.normal(ks[6], (3, D_OUT), dtype=jnp.float32) * s
    b_gate = jnp.zeros((4, D_OUT), dtype=jnp.float32)
    return {"X": X, "edge_index": edge_index, "Wx_l": Wx_l, "Wx_r": Wx_r, "bx": bx,
            "Wh_l": Wh_l, "Wh_r": Wh_r, "bh": bh, "w_c": w_c, "b_gate": b_gate}


def _sage(x, src, dst, Wl, Wr, b):
    # PyG SAGEConv with mean aggregation, root weight, bias, normalize=True
    msg = x[src]
    agg = jax.ops.segment_sum(msg, dst, num_segments=N)
    cnt = jax.ops.segment_sum(jnp.ones((src.shape[0],), x.dtype), dst, num_segments=N)
    mean = agg / jnp.maximum(cnt, 1.0)[:, None]
    out = mean @ Wl + x @ Wr + b
    nrm = jnp.linalg.norm(out, axis=-1, keepdims=True)
    return out / jnp.maximum(nrm, 1e-12)


def reference(X, edge_index, Wx_l, Wx_r, bx, Wh_l, Wh_r, bh, w_c, b_gate):
    src = edge_index[0]
    dst = edge_index[1]
    H = jnp.zeros((N, D_OUT), X.dtype)
    C = jnp.zeros((N, D_OUT), X.dtype)
    # input gate
    I = jax.nn.sigmoid(_sage(X, src, dst, Wx_l[0], Wx_r[0], bx[0])
                       + _sage(H, src, dst, Wh_l[0], Wh_r[0], bh[0])
                       + w_c[0] * C + b_gate[0])
    # forget gate
    Fg = jax.nn.sigmoid(_sage(X, src, dst, Wx_l[1], Wx_r[1], bx[1])
                        + _sage(H, src, dst, Wh_l[1], Wh_r[1], bh[1])
                        + w_c[1] * C + b_gate[1])
    # cell state
    T = jnp.tanh(_sage(X, src, dst, Wx_l[2], Wx_r[2], bx[2])
                 + _sage(H, src, dst, Wh_l[2], Wh_r[2], bh[2])
                 + b_gate[2])
    C = Fg * C + I * T
    # output gate
    O = jax.nn.sigmoid(_sage(X, src, dst, Wx_l[3], Wx_r[3], bx[3])
                       + _sage(H, src, dst, Wh_l[3], Wh_r[3], bh[3])
                       + w_c[2] * C + b_gate[3])
    H = O * jnp.tanh(C)
    return H, C

if __name__ == "__main__":
    import jax
    _d = setup_inputs()
    print(jax.jit(kernel)(*tuple(_d.values())))

</pallas_src>

<mosaic_0001>
#map = affine_map<(d0, d1) -> (0, 0)>
#map1 = affine_map<(d0, d1) -> (0, 0, 0)>
module attributes {stable_mosaic.version = 14 : i64} {
  func.func @_sc_body(%arg0: i32, %arg1: i32, %arg2: memref<10000x128xf32, #tpu.memory_space<hbm>>, %arg3: memref<2x320000xi32, #tpu.memory_space<hbm>>, %arg4: memref<2x10240x128xf32, #tpu.memory_space<hbm>>, %arg5: memref<2x10240xf32, #tpu.memory_space<hbm>>, %arg6: memref<10240x128xf32, #tpu.memory_space<vmem_shared>>, %arg7: memref<10240xf32, #tpu.memory_space<vmem_shared>>, %arg8: memref<2x128xi32, #tpu.memory_space<vmem>>, %arg9: memref<2x128xi32, #tpu.memory_space<vmem>>, %arg10: memref<128xi32, #tpu.memory_space<vmem>>, %arg11: memref<128xi32, #tpu.memory_space<vmem>>, %arg12: memref<128x128xf32, #tpu.memory_space<vmem>>, %arg13: memref<128x128xf32, #tpu.memory_space<vmem>>, %arg14: memref<2x512xi32, #tpu.memory_space<vmem>>, %arg15: memref<16xi32, #tpu.memory_space<vmem>>, %arg16: memref<16xi32, #tpu.memory_space<vmem>>, %arg17: memref<16x128xf32, #tpu.memory_space<vmem>>, %arg18: memref<128xf32, #tpu.memory_space<vmem>>, %arg19: memref<640xf32, #tpu.memory_space<vmem>>, %arg20: memref<!tpu.dma_semaphore, #tpu.memory_space<semaphore_mem>>, %arg21: memref<!tpu.dma_semaphore, #tpu.memory_space<semaphore_mem>>, %arg22: memref<!tpu.dma_semaphore, #tpu.memory_space<semaphore_mem>>, %arg23: memref<!tpu.dma_semaphore, #tpu.memory_space<semaphore_mem>>, %arg24: memref<!tpu.dma_semaphore, #tpu.memory_space<semaphore_mem>>, %arg25: memref<!tpu.dma_semaphore, #tpu.memory_space<semaphore_mem>>, %arg26: memref<!tpu.dma_semaphore, #tpu.memory_space<semaphore_mem>>, %arg27: memref<!tpu.dma_semaphore, #tpu.memory_space<semaphore_mem>>) attributes {dimension_semantics = [#tpu.dimension_semantics<core_parallel>, #tpu.dimension_semantics<subcore_parallel>], iteration_bounds = array<i64: 2, 16>, scalar_prefetch = 0 : i64, scratch_operands = 22 : i64, tpu.core_type = #tpu.core_type<sc_vector_subcore>, window_params = [{transform_indices = #map}, {transform_indices = #map}, {transform_indices = #map1}, {transform_indices = #map}]} {
    %mul3A = arith.constant 2 : i32
    %mul3A_0 = arith.muli %arg1, %mul3A : i32
    %add3A = arith.addi %mul3A_0, %arg0 : i32
    %broadcast_in_dim3A = arith.constant 0.000000e+00 : f32
    %broadcast_in_dim3A_1 = vector.broadcast %broadcast_in_dim3A : f32 to vector<16xf32>
    %scan3A = arith.constant 0 : i32
    %scan3A_2 = arith.constant 0 : i32
    %scan3A_3 = arith.constant 128 : i32
    %scan3A_4 = arith.addi %scan3A_2, %scan3A_3 : i32
    %scan3A_5 = arith.constant 1 : i32
    %scan3A_6 = scf.for %scan3A_572 = %scan3A_2 to %scan3A_4 step %scan3A_5 iter_args(%scan3A_573 = %scan3A) -> (i32)  : i32 {
      %swap3A_574 = arith.index_cast %scan3A_572 : i32 to index
      %swap3A_575 = arith.constant 0 : index
      %swap3A_576 = tpu.vector_load %arg12[%swap3A_574, %swap3A_575] {strides = array<i32>} : memref<128x128xf32, #tpu.memory_space<vmem>>, vector<1x16xf32>,
      %swap3A_577 = vector.shape_cast %swap3A_576 : vector<1x16xf32> to vector<16xf32>
      %swap3A_578 = vector.shape_cast %broadcast_in_dim3A_1 : vector<16xf32> to vector<1x16xf32>
      tpu.vector_store %arg12[%swap3A_574, %swap3A_575], %swap3A_578 {strides = array<i32>} : memref<128x128xf32, #tpu.memory_space<vmem>>, vector<1x16xf32>,
      %swap3A_579 = arith.index_cast %scan3A_572 : i32 to index
      %swap3A_580 = arith.constant 16 : index
      %swap3A_581 = tpu.vector_load %arg12[%swap3A_579, %swap3A_580] {strides = array<i32>} : memref<128x128xf32, #tpu.memory_space<vmem>>, vector<1x16xf32>,
      %swap3A_582 = vector.shape_cast %swap3A_581 : vector<1x16xf32> to vector<16xf32>
      %swap3A_583 = vector.shape_cast %broadcast_in_dim3A_1 : vector<16xf32> to vector<1x16xf32>
      tpu.vector_store %arg12[%swap3A_579, %swap3A_580], %swap3A_583 {strides = array<i32>} : memref<128x128xf32, #tpu.memory_space<vmem>>, vector<1x16xf32>,
      %swap3A_584 = arith.index_cast %scan3A_572 : i32 to index
      %swap3A_585 = arith.constant 32 : index
      %swap3A_586 = tpu.vector_load %arg12[%swap3A_584, %swap3A_585] {strides = array<i32>} : memref<128x128xf32, #tpu.memory_space<vmem>>, vector<1x16xf32>,
      %swap3A_587 = vector.shape_cast %swap3A_586 : vector<1x16xf32> to vector<16xf32>
      %swap3A_588 = vector.shape_cast %broadcast_in_dim3A_1 : vector<16xf32> to vector<1x16xf32>
      tpu.vector_store %arg12[%swap3A_584, %swap3A_585], %swap3A_588 {strides = array<i32>} : memref<128x128xf32, #tpu.memory_space<vmem>>, vector<1x16xf32>,
      %swap3A_589 = arith.index_cast %scan3A_572 : i32 to index
      %swap3A_590 = arith.constant 48 : index
      %swap3A_591 = tpu.vector_load %arg12[%swap3A_589, %swap3A_590] {strides = array<i32>} : memref<128x128xf32, #tpu.memory_space<vmem>>, vector<1x16xf32>,
      %swap3A_592 = vector.shape_cast %swap3A_591 : vector<1x16xf32> to vector<16xf32>
      %swap3A_593 = vector.shape_cast %broadcast_in_dim3A_1 : vector<16xf32> to vector<1x16xf32>
      tpu.vector_store %arg12[%swap3A_589, %swap3A_590], %swap3A_593 {strides = array<i32>} : memref<128x128xf32, #tpu.memory_space<vmem>>, vector<1x16xf32>,
      %swap3A_594 = arith.index_cast %scan3A_572 : i32 to index
      %swap3A_595 = arith.constant 64 : index
      %swap3A_596 = tpu.vector_load %arg12[%swap3A_594, %swap3A_595] {strides = array<i32>} : memref<128x128xf32, #tpu.memory_space<vmem>>, vector<1x16xf32>,
      %swap3A_597 = vector.shape_cast %swap3A_596 : vector<1x16xf32> to vector<16xf32>
      %swap3A_598 = vector.shape_cast %broadcast_in_dim3A_1 : vector<16xf32> to vector<1x16xf32>
      tpu.vector_store %arg12[%swap3A_594, %swap3A_595], %swap3A_598 {strides = array<i32>} : memref<128x128xf32, #tpu.memory_space<vmem>>, vector<1x16xf32>,
      %swap3A_599 = arith.index_cast %scan3A_572 : i32 to index
      %swap3A_600 = arith.constant 80 : index
      %swap3A_601 = tpu.vector_load %arg12[%swap3A_599, %swap3A_600] {strides = array<i32>} : memref<128x128xf32, #tpu.memory_space<vmem>>, vector<1x16xf32>,
      %swap3A_602 = vector.shape_cast %swap3A_601 : vector<1x16xf32> to vector<16xf32>
      %swap3A_603 = vector.shape_cast %broadcast_in_dim3A_1 : vector<16xf32> to vector<1x16xf32>
      tpu.vector_store %arg12[%swap3A_599, %swap3A_600], %swap3A_603 {strides = array<i32>} : memref<128x128xf32, #tpu.memory_space<vmem>>, vector<1x16xf32>,
      %swap3A_604 = arith.index_cast %scan3A_572 : i32 to index
      %swap3A_605 = arith.constant 96 : index
      %swap3A_606 = tpu.vector_load %arg12[%swap3A_604, %swap3A_605] {strides = array<i32>} : memref<128x128xf32, #tpu.memory_space<vmem>>, vector<1x16xf32>,
      %swap3A_607 = vector.shape_cast %swap3A_606 : vector<1x16xf32> to vector<16xf32>
      %swap3A_608 = vector.shape_cast %broadcast_in_dim3A_1 : vector<16xf32> to vector<1x16xf32>
      tpu.vector_store %arg12[%swap3A_604, %swap3A_605], %swap3A_608 {strides = array<i32>} : memref<128x128xf32, #tpu.memory_space<vmem>>, vector<1x16xf32>,
      %swap3A_609 = arith.index_cast %scan3A_572 : i32 to index
      %swap3A_610 = arith.constant 112 : index
      %swap3A_611 = tpu.vector_load %arg12[%swap3A_609, %swap3A_610] {strides = array<i32>} : memref<128x128xf32, #tpu.memory_space<vmem>>, vector<1x16xf32>,
      %swap3A_612 = vector.shape_cast %swap3A_611 : vector<1x16xf32> to vector<16xf32>
      %swap3A_613 = vector.shape_cast %broadcast_in_dim3A_1 : vector<16xf32> to vector<1x16xf32>
      tpu.vector_store %arg12[%swap3A_609, %swap3A_610], %swap3A_613 {strides = array<i32>} : memref<128x128xf32, #tpu.memory_space<vmem>>, vector<1x16xf32>,
      %scan3A_614 = arith.constant 0 : i32
      scf.yield %scan3A_614 : i32
    }
    %scan3A_7 = arith.constant 128 : i32
    %scan3A_8 = arith.constant 0 : i32
    %scan3A_9 = arith.constant 0 : i32
    %scan3A_10 = arith.constant 40 : i32
    %scan3A_11 = arith.addi %scan3A_9, %scan3A_10 : i32
    %scan3A_12 = arith.constant 1 : i32
    %scan3A_13 = scf.for %scan3A_572 = %scan3A_9 to %scan3A_11 step %scan3A_12 iter_args(%scan3A_573 = %scan3A_8) -> (i32)  : i32 {
      %mul3A_574 = arith.constant 16 : i32
      %mul3A_575 = arith.muli %scan3A_572, %mul3A_574 : i32
      %swap3A_576 = arith.index_cast %mul3A_575 : i32 to index
      %swap3A_577 = tpu.vector_load %arg19[%swap3A_576] {strides = array<i32>} : memref<640xf32, #tpu.memory_space<vmem>>, vector<16xf32>,
      %swap3A_578 = vector.shape_cast %swap3A_577 : vector<16xf32> to vector<16xf32>
      %swap3A_579 = vector.shape_cast %broadcast_in_dim3A_1 : vector<16xf32> to vector<16xf32>
      tpu.vector_store %arg19[%swap3A_576], %swap3A_579 {strides = array<i32>} : memref<640xf32, #tpu.memory_space<vmem>>, vector<16xf32>,
      %scan3A_580 = arith.constant 0 : i32
      scf.yield %scan3A_580 : i32
    }
    %scan3A_14 = arith.constant 40 : i32
    %broadcast_in_dim3A_15 = arith.constant 1.000000e+00 : f32
    %broadcast_in_dim3A_16 = vector.broadcast %broadcast_in_dim3A_15 : f32 to vector<16xf32>
    %swap3A = arith.constant 0 : index
    %swap3A_17 = tpu.vector_load %arg18[%swap3A] {strides = array<i32>} : memref<128xf32, #tpu.memory_space<vmem>>, vector<16xf32>,
    %swap3A_18 = vector.shape_cast %swap3A_17 : vector<16xf32> to vector<16xf32>
    %swap3A_19 = vector.shape_cast %broadcast_in_dim3A_16 : vector<16xf32> to vector<16xf32>
    tpu.vector_store %arg18[%swap3A], %swap3A_19 {strides = array<i32>} : memref<128xf32, #tpu.memory_space<vmem>>, vector<16xf32>,
    %broadcast_in_dim3A_20 = arith.constant 1.000000e+00 : f32
    %broadcast_in_dim3A_21 = vector.broadcast %broadcast_in_dim3A_20 : f32 to vector<16xf32>
    %swap3A_22 = arith.constant 16 : index
    %swap3A_23 = tpu.vector_load %arg18[%swap3A_22] {strides = array<i32>} : memref<128xf32, #tpu.memory_space<vmem>>, vector<16xf32>,
    %swap3A_24 = vector.shape_cast %swap3A_23 : vector<16xf32> to vector<16xf32>
    %swap3A_25 = vector.shape_cast %broadcast_in_dim3A_21 : vector<16xf32> to vector<16xf32>
    tpu.vector_store %arg18[%swap3A_22], %swap3A_25 {strides = array<i32>} : memref<128xf32, #tpu.memory_space<vmem>>, vector<16xf32>,
    %broadcast_in_dim3A_26 = arith.constant 1.000000e+00 : f32
    %broadcast_in_dim3A_27 = vector.broadcast %broadcast_in_dim3A_26 : f32 to vector<16xf32>
    %swap3A_28 = arith.constant 32 : index
    %swap3A_29 = tpu.vector_load %arg18[%swap3A_28] {strides = array<i32>} : memref<128xf32, #tpu.memory_space<vmem>>, vector<16xf32>,
    %swap3A_30 = vector.shape_cast %swap3A_29 : vector<16xf32> to vector<16xf32>
    %swap3A_31 = vector.shape_cast %broadcast_in_dim3A_27 : vector<16xf32> to vector<16xf32>
    tpu.vector_store %arg18[%swap3A_28], %swap3A_31 {strides = array<i32>} : memref<128xf32, #tpu.memory_space<vmem>>, vector<16xf32>,
    %broadcast_in_dim3A_32 = arith.constant 1.000000e+00 : f32
    %broadcast_in_dim3A_33 = vector.broadcast %broadcast_in_dim3A_32 : f32 to vector<16xf32>
    %swap3A_34 = arith.constant 48 : index
    %swap3A_35 = tpu.vector_load %arg18[%swap3A_34] {strides = array<i32>} : memref<128xf32, #tpu.memory_space<vmem>>, vector<16xf32>,
    %swap3A_36 = vector.shape_cast %swap3A_35 : vector<16xf32> to vector<16xf32>
    %swap3A_37 = vector.shape_cast %broadcast_in_dim3A_33 : vector<16xf32> to vector<16xf32>
    tpu.vector_store %arg18[%swap3A_34], %swap3A_37 {strides = array<i32>} : memref<128xf32, #tpu.memory_space<vmem>>, vector<16xf32>,
    %broadcast_in_dim3A_38 = arith.constant 1.000000e+00 : f32
    %broadcast_in_dim3A_39 = vector.broadcast %broadcast_in_dim3A_38 : f32 to vector<16xf32>
    %swap3A_40 = arith.constant 64 : index
    %swap3A_41 = tpu.vector_load %arg18[%swap3A_40] {strides = array<i32>} : memref<128xf32, #tpu.memory_space<vmem>>, vector<16xf32>,
    %swap3A_42 = vector.shape_cast %swap3A_41 : vector<16xf32> to vector<16xf32>
    %swap3A_43 = vector.shape_cast %broadcast_in_dim3A_39 : vector<16xf32> to vector<16xf32>
    tpu.vector_store %arg18[%swap3A_40], %swap3A_43 {strides = array<i32>} : memref<128xf32, #tpu.memory_space<vmem>>, vector<16xf32>,
    %broadcast_in_dim3A_44 = arith.constant 1.000000e+00 : f32
    %broadcast_in_dim3A_45 = vector.broadcast %broadcast_in_dim3A_44 : f32 to vector<16xf32>
    %swap3A_46 = arith.constant 80 : index
    %swap3A_47 = tpu.vector_load %arg18[%swap3A_46] {strides = array<i32>} : memref<128xf32, #tpu.memory_space<vmem>>, vector<16xf32>,
    %swap3A_48 = vector.shape_cast %swap3A_47 : vector<16xf32> to vector<16xf32>
    %swap3A_49 = vector.shape_cast %broadcast_in_dim3A_45 : vector<16xf32> to vector<16xf32>
    tpu.vector_store %arg18[%swap3A_46], %swap3A_49 {strides = array<i32>} : memref<128xf32, #tpu.memory_space<vmem>>, vector<16xf32>,
    %broadcast_in_dim3A_50 = arith.constant 1.000000e+00 : f32
    %broadcast_in_dim3A_51 = vector.broadcast %broadcast_in_dim3A_50 : f32 to vector<16xf32>
    %swap3A_52 = arith.constant 96 : index
    %swap3A_53 = tpu.vector_load %arg18[%swap3A_52] {strides = array<i32>} : memref<128xf32, #tpu.memory_space<vmem>>, vector<16xf32>,
    %swap3A_54 = vector.shape_cast %swap3A_53 : vector<16xf32> to vector<16xf32>
    %swap3A_55 = vector.shape_cast %broadcast_in_dim3A_51 : vector<16xf32> to vector<16xf32>
    tpu.vector_store %arg18[%swap3A_52], %swap3A_55 {strides = array<i32>} : memref<128xf32, #tpu.memory_space<vmem>>, vector<16xf32>,
    %broadcast_in_dim3A_56 = arith.constant 1.000000e+00 : f32
    %broadcast_in_dim3A_57 = vector.broadcast %broadcast_in_dim3A_56 : f32 to vector<16xf32>
    %swap3A_58 = arith.constant 112 : index
    %swap3A_59 = tpu.vector_load %arg18[%swap3A_58] {strides = array<i32>} : memref<128xf32, #tpu.memory_space<vmem>>, vector<16xf32>,
    %swap3A_60 = vector.shape_cast %swap3A_59 : vector<16xf32> to vector<16xf32>
    %swap3A_61 = vector.shape_cast %broadcast_in_dim3A_57 : vector<16xf32> to vector<16xf32>
    tpu.vector_store %arg18[%swap3A_58], %swap3A_61 {strides = array<i32>} : memref<128xf32, #tpu.memory_space<vmem>>, vector<16xf32>,
    %mul3A_62 = arith.constant 640 : i32
    %mul3A_63 = arith.muli %arg1, %mul3A_62 : i32
    %add3A_64 = arith.constant 0 : i32
    %add3A_65 = arith.addi %mul3A_63, %add3A_64 : i32
    "tpu.region"() ({
      %run_scoped3A = tpu.sem_alloc : memref<!tpu.dma_semaphore, #tpu.memory_space<semaphore_mem>>
      %dma_start3A_572 = arith.constant 0 : i32
      %dma_start3A_573 = tpu.memref_slice %arg6[%add3A_65, %dma_start3A_572] : memref<10240x128xf32, #tpu.memory_space<vmem_shared>> -> memref<128x128xf32, #tpu.memory_space<vmem_shared>>
      %dma_start3A_574 = arith.constant 0 : i32
      %dma_start3A_575 = tpu.memref_slice %arg6[%add3A_65, %dma_start3A_574] : memref<10240x128xf32, #tpu.memory_space<vmem_shared>> -> memref<128x128xf32, #tpu.memory_space<vmem_shared>>
      tpu.enqueue_dma source(%arg12 : memref<128x128xf32, #tpu.memory_space<vmem>>) target(%dma_start3A_575 : memref<128x128xf32, #tpu.memory_space<vmem_shared>>) target_semaphore(%run_scoped3A : memref<!tpu.dma_semaphore, #tpu.memory_space<semaphore_mem>>)
      %dma_wait3A_576 = arith.constant 0 : i32
      %dma_wait3A_577 = tpu.memref_slice %arg6[%add3A_65, %dma_wait3A_576] : memref<10240x128xf32, #tpu.memory_space<vmem_shared>> -> memref<128x128xf32, #tpu.memory_space<vmem_shared>>
      %dma_wait3A_578 = arith.constant 0 : i32
      %dma_wait3A_579 = tpu.memref_slice %arg6[%add3A_65, %dma_wait3A_578] : memref<10240x128xf32, #tpu.memory_space<vmem_shared>> -> memref<128x128xf32, #tpu.memory_space<vmem_shared>>
      tpu.wait_dma2 semaphore(%run_scoped3A : memref<!tpu.dma_semaphore, #tpu.memory_space<semaphore_mem>>) src(%arg12 : memref<128x128xf32, #tpu.memory_space<vmem>>) dst(%dma_wait3A_579 : memref<128x128xf32, #tpu.memory_space<vmem_shared>>)
      tpu.yield
    }) : () -> ()
    %add3A_66 = arith.constant 128 : i32
    %add3A_67 = arith.addi %mul3A_63, %add3A_66 : i32
    "tpu.region"() ({
      %run_scoped3A = tpu.sem_alloc : memref<!tpu.dma_semaphore, #tpu.memory_space<semaphore_mem>>
      %dma_start3A_572 = arith.constant 0 : i32
      %dma_start3A_573 = tpu.memref_slice %arg6[%add3A_67, %dma_start3A_572] : memref<10240x128xf32, #tpu.memory_space<vmem_shared>> -> memref<128x128xf32, #tpu.memory_space<vmem_shared>>
      %dma_start3A_574 = arith.constant 0 : i32
      %dma_start3A_575 = tpu.memref_slice %arg6[%add3A_67, %dma_start3A_574] : memref<10240x128xf32, #tpu.memory_space<vmem_shared>> -> memref<128x128xf32, #tpu.memory_space<vmem_shared>>
      tpu.enqueue_dma source(%arg12 : memref<128x128xf32, #tpu.memory_space<vmem>>) target(%dma_start3A_575 : memref<128x128xf32, #tpu.memory_space<vmem_shared>>) target_semaphore(%run_scoped3A : memref<!tpu.dma_semaphore, #tpu.memory_space<semaphore_mem>>)
      %dma_wait3A_576 = arith.constant 0 : i32
      %dma_wait3A_577 = tpu.memref_slice %arg6[%add3A_67, %dma_wait3A_576] : memref<10240x128xf32, #tpu.memory_space<vmem_shared>> -> memref<128x128xf32, #tpu.memory_space<vmem_shared>>
      %dma_wait3A_578 = arith.constant 0 : i32
      %dma_wait3A_579 = tpu.memref_slice %arg6[%add3A_67, %dma_wait3A_578] : memref<10240x128xf32, #tpu.memory_space<vmem_shared>> -> memref<128x128xf32, #tpu.memory_space<vmem_shared>>
      tpu.wait_dma2 semaphore(%run_scoped3A : memref<!tpu.dma_semaphore, #tpu.memory_space<semaphore_mem>>) src(%arg12 : memref<128x128xf32, #tpu.memory_space<vmem>>) dst(%dma_wait3A_579 : memref<128x128xf32, #tpu.memory_space<vmem_shared>>)
      tpu.yield
    }) : () -> ()
    %add3A_68 = arith.constant 256 : i32
    %add3A_69 = arith.addi %mul3A_63, %add3A_68 : i32
    "tpu.region"() ({
      %run_scoped3A = tpu.sem_alloc : memref<!tpu.dma_semaphore, #tpu.memory_space<semaphore_mem>>
      %dma_start3A_572 = arith.constant 0 : i32
      %dma_start3A_573 = tpu.memref_slice %arg6[%add3A_69, %dma_start3A_572] : memref<10240x128xf32, #tpu.memory_space<vmem_shared>> -> memref<128x128xf32, #tpu.memory_space<vmem_shared>>
      %dma_start3A_574 = arith.constant 0 : i32
      %dma_start3A_575 = tpu.memref_slice %arg6[%add3A_69, %dma_start3A_574] : memref<10240x128xf32, #tpu.memory_space<vmem_shared>> -> memref<128x128xf32, #tpu.memory_space<vmem_shared>>
      tpu.enqueue_dma source(%arg12 : memref<128x128xf32, #tpu.memory_space<vmem>>) target(%dma_start3A_575 : memref<128x128xf32, #tpu.memory_space<vmem_shared>>) target_semaphore(%run_scoped3A : memref<!tpu.dma_semaphore, #tpu.memory_space<semaphore_mem>>)
      %dma_wait3A_576 = arith.constant 0 : i32
      %dma_wait3A_577 = tpu.memref_slice %arg6[%add3A_69, %dma_wait3A_576] : memref<10240x128xf32, #tpu.memory_space<vmem_shared>> -> memref<128x128xf32, #tpu.memory_space<vmem_shared>>
      %dma_wait3A_578 = arith.constant 0 : i32
      %dma_wait3A_579 = tpu.memref_slice %arg6[%add3A_69, %dma_wait3A_578] : memref<10240x128xf32, #tpu.memory_space<vmem_shared>> -> memref<128x128xf32, #tpu.memory_space<vmem_shared>>
      tpu.wait_dma2 semaphore(%run_scoped3A : memref<!tpu.dma_semaphore, #tpu.memory_space<semaphore_mem>>) src(%arg12 : memref<128x128xf32, #tpu.memory_space<vmem>>) dst(%dma_wait3A_579 : memref<128x128xf32, #tpu.memory_space<vmem_shared>>)
      tpu.yield
    }) : () -> ()
    %add3A_70 = arith.constant 384 : i32
    %add3A_71 = arith.addi %mul3A_63, %add3A_70 : i32
    "tpu.region"() ({
      %run_scoped3A = tpu.sem_alloc : memref<!tpu.dma_semaphore, #tpu.memory_space<semaphore_mem>>
      %dma_start3A_572 = arith.constant 0 : i32
      %dma_start3A_573 = tpu.memref_slice %arg6[%add3A_71, %dma_start3A_572] : memref<10240x128xf32, #tpu.memory_space<vmem_shared>> -> memref<128x128xf32, #tpu.memory_space<vmem_shared>>
      %dma_start3A_574 = arith.constant 0 : i32
      %dma_start3A_575 = tpu.memref_slice %arg6[%add3A_71, %dma_start3A_574] : memref<10240x128xf32, #tpu.memory_space<vmem_shared>> -> memref<128x128xf32, #tpu.memory_space<vmem_shared>>
      tpu.enqueue_dma source(%arg12 : memref<128x128xf32, #tpu.memory_space<vmem>>) target(%dma_start3A_575 : memref<128x128xf32, #tpu.memory_space<vmem_shared>>) target_semaphore(%run_scoped3A : memref<!tpu.dma_semaphore, #tpu.memory_space<semaphore_mem>>)
      %dma_wait3A_576 = arith.constant 0 : i32
      %dma_wait3A_577 = tpu.memref_slice %arg6[%add3A_71, %dma_wait3A_576] : memref<10240x128xf32, #tpu.memory_space<vmem_shared>> -> memref<128x128xf32, #tpu.memory_space<vmem_shared>>
      %dma_wait3A_578 = arith.constant 0 : i32
      %dma_wait3A_579 = tpu.memref_slice %arg6[%add3A_71, %dma_wait3A_578] : memref<10240x128xf32, #tpu.memory_space<vmem_shared>> -> memref<128x128xf32, #tpu.memory_space<vmem_shared>>
      tpu.wait_dma2 semaphore(%run_scoped3A : memref<!tpu.dma_semaphore, #tpu.memory_space<semaphore_mem>>) src(%arg12 : memref<128x128xf32, #tpu.memory_space<vmem>>) dst(%dma_wait3A_579 : memref<128x128xf32, #tpu.memory_space<vmem_shared>>)
      tpu.yield
    }) : () -> ()
    %add3A_72 = arith.constant 512 : i32
    %add3A_73 = arith.addi %mul3A_63, %add3A_72 : i32
    "tpu.region"() ({
      %run_scoped3A = tpu.sem_alloc : memref<!tpu.dma_semaphore, #tpu.memory_space<semaphore_mem>>
      %dma_start3A_572 = arith.constant 0 : i32
      %dma_start3A_573 = tpu.memref_slice %arg6[%add3A_73, %dma_start3A_572] : memref<10240x128xf32, #tpu.memory_space<vmem_shared>> -> memref<128x128xf32, #tpu.memory_space<vmem_shared>>
      %dma_start3A_574 = arith.constant 0 : i32
      %dma_start3A_575 = tpu.memref_slice %arg6[%add3A_73, %dma_start3A_574] : memref<10240x128xf32, #tpu.memory_space<vmem_shared>> -> memref<128x128xf32, #tpu.memory_space<vmem_shared>>
      tpu.enqueue_dma source(%arg12 : memref<128x128xf32, #tpu.memory_space<vmem>>) target(%dma_start3A_575 : memref<128x128xf32, #tpu.memory_space<vmem_shared>>) target_semaphore(%run_scoped3A : memref<!tpu.dma_semaphore, #tpu.memory_space<semaphore_mem>>)
      %dma_wait3A_576 = arith.constant 0 : i32
      %dma_wait3A_577 = tpu.memref_slice %arg6[%add3A_73, %dma_wait3A_576] : memref<10240x128xf32, #tpu.memory_space<vmem_shared>> -> memref<128x128xf32, #tpu.memory_space<vmem_shared>>
      %dma_wait3A_578 = arith.constant 0 : i32
      %dma_wait3A_579 = tpu.memref_slice %arg6[%add3A_73, %dma_wait3A_578] : memref<10240x128xf32, #tpu.memory_space<vmem_shared>> -> memref<128x128xf32, #tpu.memory_space<vmem_shared>>
      tpu.wait_dma2 semaphore(%run_scoped3A : memref<!tpu.dma_semaphore, #tpu.memory_space<semaphore_mem>>) src(%arg12 : memref<128x128xf32, #tpu.memory_space<vmem>>) dst(%dma_wait3A_579 : memref<128x128xf32, #tpu.memory_space<vmem_shared>>)
      tpu.yield
    }) : () -> ()
    "tpu.region"() ({
      %run_scoped3A = tpu.sem_alloc : memref<!tpu.dma_semaphore, #tpu.memory_space<semaphore_mem>>
      %dma_start3A_572 = tpu.memref_slice %arg7[%mul3A_63] : memref<10240xf32, #tpu.memory_space<vmem_shared>> -> memref<640xf32, #tpu.memory_space<vmem_shared>>
      %dma_start3A_573 = tpu.memref_slice %arg7[%mul3A_63] : memref<10240xf32, #tpu.memory_space<vmem_shared>> -> memref<640xf32, #tpu.memory_space<vmem_shared>>
      tpu.enqueue_dma source(%arg19 : memref<640xf32, #tpu.memory_space<vmem>>) target(%dma_start3A_573 : memref<640xf32, #tpu.memory_space<vmem_shared>>) target_semaphore(%run_scoped3A : memref<!tpu.dma_semaphore, #tpu.memory_space<semaphore_mem>>)
      %dma_wait3A_574 = tpu.memref_slice %arg7[%mul3A_63] : memref<10240xf32, #tpu.memory_space<vmem_shared>> -> memref<640xf32, #tpu.memory_space<vmem_shared>>
      %dma_wait3A_575 = tpu.memref_slice %arg7[%mul3A_63] : memref<10240xf32, #tpu.memory_space<vmem_shared>> -> memref<640xf32, #tpu.memory_space<vmem_shared>>
      tpu.wait_dma2 semaphore(%run_scoped3A : memref<!tpu.dma_semaphore, #tpu.memory_space<semaphore_mem>>) src(%arg19 : memref<640xf32, #tpu.memory_space<vmem>>) dst(%dma_wait3A_575 : memref<640xf32, #tpu.memory_space<vmem_shared>>)
      tpu.yield
    }) : () -> ()
    %barrier3A = arith.constant 0 : index
    tpu.barrier barrier_id(%barrier3A)
    %mul3A_74 = arith.constant 78 : i32
    %mul3A_75 = arith.muli %add3A, %mul3A_74 : i32
    %add3A_76 = arith.constant 0 : i32
    %add3A_77 = arith.addi %mul3A_75, %add3A_76 : i32
    %mul3A_78 = arith.constant 128 : i32
    %mul3A_79 = arith.muli %add3A_77, %mul3A_78 : i32
    %multiple_of3A = tpu.assume_multiple %mul3A_79, 128 : i32
    %dma_start3A = arith.constant 0 : i32
    %dma_start3A_80 = tpu.memref_slice %arg3[%dma_start3A, %multiple_of3A] : memref<2x320000xi32, #tpu.memory_space<hbm>> -> memref<2x128xi32, #tpu.memory_space<hbm>>
    %dma_start3A_81 = arith.constant 0 : i32
    %dma_start3A_82 = tpu.memref_slice %arg3[%dma_start3A_81, %multiple_of3A] : memref<2x320000xi32, #tpu.memory_space<hbm>> -> memref<2x128xi32, #tpu.memory_space<hbm>>
    tpu.enqueue_dma source(%dma_start3A_82 : memref<2x128xi32, #tpu.memory_space<hbm>>) target(%arg8 : memref<2x128xi32, #tpu.memory_space<vmem>>) target_semaphore(%arg26 : memref<!tpu.dma_semaphore, #tpu.memory_space<semaphore_mem>>)
    %mul3A_83 = arith.constant 78 : i32
    %mul3A_84 = arith.muli %add3A, %mul3A_83 : i32
    %add3A_85 = arith.constant 0 : i32
    %add3A_86 = arith.addi %mul3A_84, %add3A_85 : i32
    %mul3A_87 = arith.constant 128 : i32
    %mul3A_88 = arith.muli %add3A_86, %mul3A_87 : i32
    %multiple_of3A_89 = tpu.assume_multiple %mul3A_88, 128 : i32
    %dma_wait3A = arith.constant 0 : i32
    %dma_wait3A_90 = tpu.memref_slice %arg3[%dma_wait3A, %multiple_of3A_89] : memref<2x320000xi32, #tpu.memory_space<hbm>> -> memref<2x128xi32, #tpu.memory_space<hbm>>
    %dma_wait3A_91 = arith.constant 0 : i32
    %dma_wait3A_92 = tpu.memref_slice %arg3[%dma_wait3A_91, %multiple_of3A_89] : memref<2x320000xi32, #tpu.memory_space<hbm>> -> memref<2x128xi32, #tpu.memory_space<hbm>>
    tpu.wait_dma2 semaphore(%arg26 : memref<!tpu.dma_semaphore, #tpu.memory_space<semaphore_mem>>) src(%dma_wait3A_92 : memref<2x128xi32, #tpu.memory_space<hbm>>) dst(%arg8 : memref<2x128xi32, #tpu.memory_space<vmem>>)
    %dma_start3A_93 = arith.constant 0 : i32
    %dma_start3A_94 = arith.constant 0 : i32
    %dma_start3A_95 = tpu.memref_slice %arg8[%dma_start3A_93, %dma_start3A_94] : memref<2x128xi32, #tpu.memory_space<vmem>> -> memref<1x128xi32, #tpu.memory_space<vmem>>
    %dma_start3A_96 = tpu.memref_squeeze %dma_start3A_95 : memref<1x128xi32, #tpu.memory_space<vmem>> -> memref<128xi32, #tpu.memory_space<vmem>>
    %dma_start3A_97 = arith.constant 0 : i32
    %dma_start3A_98 = arith.constant 0 : i32
    %dma_start3A_99 = tpu.memref_slice %arg2[%dma_start3A_97, %dma_start3A_98] : memref<10000x128xf32, #tpu.memory_space<hbm>> -> memref<10000x128xf32, #tpu.memory_space<hbm>>
    tpu.enqueue_indirect_dma source(%dma_start3A_99 : memref<10000x128xf32, #tpu.memory_space<hbm>>) target(%arg12 : memref<128x128xf32, #tpu.memory_space<vmem>>) offsets(%dma_start3A_96 : memref<128xi32, #tpu.memory_space<vmem>>) semaphore(%arg20 : memref<!tpu.dma_semaphore, #tpu.memory_space<semaphore_mem>>)
    %mul3A_100 = arith.constant 78 : i32
    %mul3A_101 = arith.muli %add3A, %mul3A_100 : i32
    %add3A_102 = arith.constant 1 : i32
    %add3A_103 = arith.addi %mul3A_101, %add3A_102 : i32
    %mul3A_104 = arith.constant 128 : i32
    %mul3A_105 = arith.muli %add3A_103, %mul3A_104 : i32
    %multiple_of3A_106 = tpu.assume_multiple %mul3A_105, 128 : i32
    %dma_start3A_107 = arith.constant 0 : i32
    %dma_start3A_108 = tpu.memref_slice %arg3[%dma_start3A_107, %multiple_of3A_106] : memref<2x320000xi32, #tpu.memory_space<hbm>> -> memref<2x128xi32, #tpu.memory_space<hbm>>
    %dma_start3A_109 = arith.constant 0 : i32
    %dma_start3A_110 = tpu.memref_slice %arg3[%dma_start3A_109, %multiple_of3A_106] : memref<2x320000xi32, #tpu.memory_space<hbm>> -> memref<2x128xi32, #tpu.memory_space<hbm>>
    tpu.enqueue_dma source(%dma_start3A_110 : memref<2x128xi32, #tpu.memory_space<hbm>>) target(%arg9 : memref<2x128xi32, #tpu.memory_space<vmem>>) target_semaphore(%arg27 : memref<!tpu.dma_semaphore, #tpu.memory_space<semaphore_mem>>)
    %dma_wait3A_111 = arith.constant 0 : i32
    %dma_wait3A_112 = arith.constant 0 : i32
    %dma_wait3A_113 = tpu.memref_slice %arg8[%dma_wait3A_111, %dma_wait3A_112] : memref<2x128xi32, #tpu.memory_space<vmem>> -> memref<1x128xi32, #tpu.memory_space<vmem>>
    %dma_wait3A_114 = tpu.memref_squeeze %dma_wait3A_113 : memref<1x128xi32, #tpu.memory_space<vmem>> -> memref<128xi32, #tpu.memory_space<vmem>>
    %dma_wait3A_115 = arith.constant 0 : i32
    %dma_wait3A_116 = arith.constant 0 : i32
    %dma_wait3A_117 = tpu.memref_slice %arg2[%dma_wait3A_115, %dma_wait3A_116] : memref<10000x128xf32, #tpu.memory_space<hbm>> -> memref<10000x128xf32, #tpu.memory_space<hbm>>
    tpu.wait_indirect_dma semaphore(%arg20 : memref<!tpu.dma_semaphore, #tpu.memory_space<semaphore_mem>>) src(%dma_wait3A_117 : memref<10000x128xf32, #tpu.memory_space<hbm>>) dst(%arg12 : memref<128x128xf32, #tpu.memory_space<vmem>>)
    %get3A = arith.constant 1 : i32
    %get3A_118 = arith.index_cast %get3A : i32 to index
    %get3A_119 = arith.constant 0 : index
    %get3A_120 = tpu.vector_load %arg8[%get3A_118, %get3A_119] {strides = array<i32>} : memref<2x128xi32, #tpu.memory_space<vmem>>, vector<1x16xi32>,
    %get3A_121 = vector.shape_cast %get3A_120 : vector<1x16xi32> to vector<16xi32>
    %swap3A_122 = arith.constant 0 : index
    %swap3A_123 = tpu.vector_load %arg10[%swap3A_122] {strides = array<i32>} : memref<128xi32, #tpu.memory_space<vmem>>, vector<16xi32>,
    %swap3A_124 = vector.shape_cast %swap3A_123 : vector<16xi32> to vector<16xi32>
    %swap3A_125 = vector.shape_cast %get3A_121 : vector<16xi32> to vector<16xi32>
    tpu.vector_store %arg10[%swap3A_122], %swap3A_125 {strides = array<i32>} : memref<128xi32, #tpu.memory_space<vmem>>, vector<16xi32>,
    %get3A_126 = arith.constant 1 : i32
    %get3A_127 = arith.index_cast %get3A_126 : i32 to index
    %get3A_128 = arith.constant 16 : index
    %get3A_129 = tpu.vector_load %arg8[%get3A_127, %get3A_128] {strides = array<i32>} : memref<2x128xi32, #tpu.memory_space<vmem>>, vector<1x16xi32>,
    %get3A_130 = vector.shape_cast %get3A_129 : vector<1x16xi32> to vector<16xi32>
    %swap3A_131 = arith.constant 16 : index
    %swap3A_132 = tpu.vector_load %arg10[%swap3A_131] {strides = array<i32>} : memref<128xi32, #tpu.memory_space<vmem>>, vector<16xi32>,
    %swap3A_133 = vector.shape_cast %swap3A_132 : vector<16xi32> to vector<16xi32>
    %swap3A_134 = vector.shape_cast %get3A_130 : vector<16xi32> to vector<16xi32>
    tpu.vector_store %arg10[%swap3A_131], %swap3A_134 {strides = array<i32>} : memref<128xi32, #tpu.memory_space<vmem>>, vector<16xi32>,
    %get3A_135 = arith.constant 1 : i32
    %get3A_136 = arith.index_cast %get3A_135 : i32 to index
    %get3A_137 = arith.constant 32 : index
    %get3A_138 = tpu.vector_load %arg8[%get3A_136, %get3A_137] {strides = array<i32>} : memref<2x128xi32, #tpu.memory_space<vmem>>, vector<1x16xi32>,
    %get3A_139 = vector.shape_cast %get3A_138 : vector<1x16xi32> to vector<16xi32>
    %swap3A_140 = arith.constant 32 : index
    %swap3A_141 = tpu.vector_load %arg10[%swap3A_140] {strides = array<i32>} : memref<128xi32, #tpu.memory_space<vmem>>, vector<16xi32>,
    %swap3A_142 = vector.shape_cast %swap3A_141 : vector<16xi32> to vector<16xi32>
    %swap3A_143 = vector.shape_cast %get3A_139 : vector<16xi32> to vector<16xi32>
    tpu.vector_store %arg10[%swap3A_140], %swap3A_143 {strides = array<i32>} : memref<128xi32, #tpu.memory_space<vmem>>, vector<16xi32>,
    %get3A_144 = arith.constant 1 : i32
    %get3A_145 = arith.index_cast %get3A_144 : i32 to index
    %get3A_146 = arith.constant 48 : index
    %get3A_147 = tpu.vector_load %arg8[%get3A_145, %get3A_146] {strides = array<i32>} : memref<2x128xi32, #tpu.memory_space<vmem>>, vector<1x16xi32>,
    %get3A_148 = vector.shape_cast %get3A_147 : vector<1x16xi32> to vector<16xi32>
    %swap3A_149 = arith.constant 48 : index
    %swap3A_150 = tpu.vector_load %arg10[%swap3A_149] {strides = array<i32>} : memref<128xi32, #tpu.memory_space<vmem>>, vector<16xi32>,
    %swap3A_151 = vector.shape_cast %swap3A_150 : vector<16xi32> to vector<16xi32>
    %swap3A_152 = vector.shape_cast %get3A_148 : vector<16xi32> to vector<16xi32>
    tpu.vector_store %arg10[%swap3A_149], %swap3A_152 {strides = array<i32>} : memref<128xi32, #tpu.memory_space<vmem>>, vector<16xi32>,
    %get3A_153 = arith.constant 1 : i32
    %get3A_154 = arith.index_cast %get3A_153 : i32 to index
    %get3A_155 = arith.constant 64 : index
    %get3A_156 = tpu.vector_load %arg8[%get3A_154, %get3A_155] {strides = array<i32>} : memref<2x128xi32, #tpu.memory_space<vmem>>, vector<1x16xi32>,
    %get3A_157 = vector.shape_cast %get3A_156 : vector<1x16xi32> to vector<16xi32>
    %swap3A_158 = arith.constant 64 : index
    %swap3A_159 = tpu.vector_load %arg10[%swap3A_158] {strides = array<i32>} : memref<128xi32, #tpu.memory_space<vmem>>, vector<16xi32>,
    %swap3A_160 = vector.shape_cast %swap3A_159 : vector<16xi32> to vector<16xi32>
    %swap3A_161 = vector.shape_cast %get3A_157 : vector<16xi32> to vector<16xi32>
    tpu.vector_store %arg10[%swap3A_158], %swap3A_161 {strides = array<i32>} : memref<128xi32, #tpu.memory_space<vmem>>, vector<16xi32>,
    %get3A_162 = arith.constant 1 : i32
    %get3A_163 = arith.index_cast %get3A_162 : i32 to index
    %get3A_164 = arith.constant 80 : index
    %get3A_165 = tpu.vector_load %arg8[%get3A_163, %get3A_164] {strides = array<i32>} : memref<2x128xi32, #tpu.memory_space<vmem>>, vector<1x16xi32>,
    %get3A_166 = vector.shape_cast %get3A_165 : vector<1x16xi32> to vector<16xi32>
    %swap3A_167 = arith.constant 80 : index
    %swap3A_168 = tpu.vector_load %arg10[%swap3A_167] {strides = array<i32>} : memref<128xi32, #tpu.memory_space<vmem>>, vector<16xi32>,
    %swap3A_169 = vector.shape_cast %swap3A_168 : vector<16xi32> to vector<16xi32>
    %swap3A_170 = vector.shape_cast %get3A_166 : vector<16xi32> to vector<16xi32>
    tpu.vector_store %arg10[%swap3A_167], %swap3A_170 {strides = array<i32>} : memref<128xi32, #tpu.memory_space<vmem>>, vector<16xi32>,
    %get3A_171 = arith.constant 1 : i32
    %get3A_172 = arith.index_cast %get3A_171 : i32 to index
    %get3A_173 = arith.constant 96 : index
    %get3A_174 = tpu.vector_load %arg8[%get3A_172, %get3A_173] {strides = array<i32>} : memref<2x128xi32, #tpu.memory_space<vmem>>, vector<1x16xi32>,
    %get3A_175 = vector.shape_cast %get3A_174 : vector<1x16xi32> to vector<16xi32>
    %swap3A_176 = arith.constant 96 : index
    %swap3A_177 = tpu.vector_load %arg10[%swap3A_176] {strides = array<i32>} : memref<128xi32, #tpu.memory_space<vmem>>, vector<16xi32>,
    %swap3A_178 = vector.shape_cast %swap3A_177 : vector<16xi32> to vector<16xi32>
    %swap3A_179 = vector.shape_cast %get3A_175 : vector<16xi32> to vector<16xi32>
    tpu.vector_store %arg10[%swap3A_176], %swap3A_179 {strides = array<i32>} : memref<128xi32, #tpu.memory_space<vmem>>, vector<16xi32>,
    %get3A_180 = arith.constant 1 : i32
    %get3A_181 = arith.index_cast %get3A_180 : i32 to index
    %get3A_182 = arith.constant 112 : index
    %get3A_183 = tpu.vector_load %arg8[%get3A_181, %get3A_182] {strides = array<i32>} : memref<2x128xi32, #tpu.memory_space<vmem>>, vector<1x16xi32>,
    %get3A_184 = vector.shape_cast %get3A_183 : vector<1x16xi32> to vector<16xi32>
    %swap3A_185 = arith.constant 112 : index
    %swap3A_186 = tpu.vector_load %arg10[%swap3A_185] {strides = array<i32>} : memref<128xi32, #tpu.memory_space<vmem>>, vector<16xi32>,
    %swap3A_187 = vector.shape_cast %swap3A_186 : vector<16xi32> to vector<16xi32>
    %swap3A_188 = vector.shape_cast %get3A_184 : vector<16xi32> to vector<16xi32>
    tpu.vector_store %arg10[%swap3A_185], %swap3A_188 {strides = array<i32>} : memref<128xi32, #tpu.memory_space<vmem>>, vector<16xi32>,
    %dma_start3A_189 = arith.constant 0 : i32
    %dma_start3A_190 = arith.constant 0 : i32
    %dma_start3A_191 = tpu.memref_slice %arg6[%dma_start3A_189, %dma_start3A_190] : memref<10240x128xf32, #tpu.memory_space<vmem_shared>> -> memref<10240x128xf32, #tpu.memory_space<vmem_shared>>
    tpu.enqueue_indirect_dma source(%arg12 : memref<128x128xf32, #tpu.memory_space<vmem>>) target(%dma_start3A_191 : memref<10240x128xf32, #tpu.memory_space<vmem_shared>>) offsets(%arg10 : memref<128xi32, #tpu.memory_space<vmem>>) semaphore(%arg22 : memref<!tpu.dma_semaphore, #tpu.memory_space<semaphore_mem>>) {add = true}
    %dma_start3A_192 = arith.constant 0 : i32
    %dma_start3A_193 = tpu.memref_slice %arg7[%dma_start3A_192] : memref<10240xf32, #tpu.memory_space<vmem_shared>> -> memref<10240xf32, #tpu.memory_space<vmem_shared>>
    tpu.enqueue_indirect_dma source(%arg18 : memref<128xf32, #tpu.memory_space<vmem>>) target(%dma_start3A_193 : memref<10240xf32, #tpu.memory_space<vmem_shared>>) offsets(%arg10 : memref<128xi32, #tpu.memory_space<vmem>>) semaphore(%arg24 : memref<!tpu.dma_semaphore, #tpu.memory_space<semaphore_mem>>) {add = true}
    %mul3A_194 = arith.constant 78 : i32
    %mul3A_195 = arith.muli %add3A, %mul3A_194 : i32
    %add3A_196 = arith.constant 2 : i32
    %add3A_197 = arith.addi %mul3A_195, %add3A_196 : i32
    %mul3A_198 = arith.constant 128 : i32
    %mul3A_199 = arith.muli %add3A_197, %mul3A_198 : i32
    %multiple_of3A_200 = tpu.assume_multiple %mul3A_199, 128 : i32
    %dma_start3A_201 = arith.constant 0 : i32
    %dma_start3A_202 = tpu.memref_slice %arg3[%dma_start3A_201, %multiple_of3A_200] : memref<2x320000xi32, #tpu.memory_space<hbm>> -> memref<2x128xi32, #tpu.memory_space<hbm>>
    %dma_start3A_203 = arith.constant 0 : i32
    %dma_start3A_204 = tpu.memref_slice %arg3[%dma_start3A_203, %multiple_of3A_200] : memref<2x320000xi32, #tpu.memory_space<hbm>> -> memref<2x128xi32, #tpu.memory_space<hbm>>
    tpu.enqueue_dma source(%dma_start3A_204 : memref<2x128xi32, #tpu.memory_space<hbm>>) target(%arg8 : memref<2x128xi32, #tpu.memory_space<vmem>>) target_semaphore(%arg26 : memref<!tpu.dma_semaphore, #tpu.memory_space<semaphore_mem>>)
    %mul3A_205 = arith.constant 78 : i32
    %mul3A_206 = arith.muli %add3A, %mul3A_205 : i32
    %add3A_207 = arith.constant 1 : i32
    %add3A_208 = arith.addi %mul3A_206, %add3A_207 : i32
    %mul3A_209 = arith.constant 128 : i32
    %mul3A_210 = arith.muli %add3A_208, %mul3A_209 : i32
    %multiple_of3A_211 = tpu.assume_multiple %mul3A_210, 128 : i32
    %dma_wait3A_212 = arith.constant 0 : i32
    %dma_wait3A_213 = tpu.memref_slice %arg3[%dma_wait3A_212, %multiple_of3A_211] : memref<2x320000xi32, #tpu.memory_space<hbm>> -> memref<2x128xi32, #tpu.memory_space<hbm>>
    %dma_wait3A_214 = arith.constant 0 : i32
    %dma_wait3A_215 = tpu.memref_slice %arg3[%dma_wait3A_214, %multiple_of3A_211] : memref<2x320000xi32, #tpu.memory_space<hbm>> -> memref<2x128xi32, #tpu.memory_space<hbm>>
    tpu.wait_dma2 semaphore(%arg27 : memref<!tpu.dma_semaphore, #tpu.memory_space<semaphore_mem>>) src(%dma_wait3A_215 : memref<2x128xi32, #tpu.memory_space<hbm>>) dst(%arg9 : memref<2x128xi32, #tpu.memory_space<vmem>>)
    %dma_start3A_216 = arith.constant 0 : i32
    %dma_start3A_217 = arith.constant 0 : i32
    %dma_start3A_218 = tpu.memref_slice %arg9[%dma_start3A_216, %dma_start3A_217] : memref<2x128xi32, #tpu.memory_space<vmem>> -> memref<1x128xi32, #tpu.memory_space<vmem>>
    %dma_start3A_219 = tpu.memref_squeeze %dma_start3A_218 : memref<1x128xi32, #tpu.memory_space<vmem>> -> memref<128xi32, #tpu.memory_space<vmem>>
    %dma_start3A_220 = arith.constant 0 : i32
    %dma_start3A_221 = arith.constant 0 : i32
    %dma_start3A_222 = tpu.memref_slice %arg2[%dma_start3A_220, %dma_start3A_221] : memref<10000x128xf32, #tpu.memory_space<hbm>> -> memref<10000x128xf32, #tpu.memory_space<hbm>>
    tpu.enqueue_indirect_dma source(%dma_start3A_222 : memref<10000x128xf32, #tpu.memory_space<hbm>>) target(%arg13 : memref<128x128xf32, #tpu.memory_space<vmem>>) offsets(%dma_start3A_219 : memref<128xi32, #tpu.memory_space<vmem>>) semaphore(%arg21 : memref<!tpu.dma_semaphore, #tpu.memory_space<semaphore_mem>>)
    %scan3A_223 = arith.constant 0 : i32
    %scan3A_224 = arith.constant 0 : i32
    %scan3A_225 = arith.constant 37 : i32
    %scan3A_226 = arith.addi %scan3A_224, %scan3A_225 : i32
    %scan3A_227 = arith.constant 1 : i32
    %scan3A_228 = scf.for %scan3A_572 = %scan3A_224 to %scan3A_226 step %scan3A_227 iter_args(%scan3A_573 = %scan3A_223) -> (i32)  : i32 {
      %mul3A_574 = arith.constant 2 : i32
      %mul3A_575 = arith.muli %mul3A_574, %scan3A_572 : i32
      %add3A_576 = arith.constant 1 : i32
      %add3A_577 = arith.addi %add3A_576, %mul3A_575 : i32
      %dma_wait3A_578 = arith.constant 0 : i32
      %dma_wait3A_579 = arith.constant 0 : i32
      %dma_wait3A_580 = tpu.memref_slice %arg9[%dma_wait3A_578, %dma_wait3A_579] : memref<2x128xi32, #tpu.memory_space<vmem>> -> memref<1x128xi32, #tpu.memory_space<vmem>>
      %dma_wait3A_581 = tpu.memref_squeeze %dma_wait3A_580 : memref<1x128xi32, #tpu.memory_space<vmem>> -> memref<128xi32, #tpu.memory_space<vmem>>
      %dma_wait3A_582 = arith.constant 0 : i32
      %dma_wait3A_583 = arith.constant 0 : i32
      %dma_wait3A_584 = tpu.memref_slice %arg2[%dma_wait3A_582, %dma_wait3A_583] : memref<10000x128xf32, #tpu.memory_space<hbm>> -> memref<10000x128xf32, #tpu.memory_space<hbm>>
      tpu.wait_indirect_dma semaphore(%arg21 : memref<!tpu.dma_semaphore, #tpu.memory_space<semaphore_mem>>) src(%dma_wait3A_584 : memref<10000x128xf32, #tpu.memory_space<hbm>>) dst(%arg13 : memref<128x128xf32, #tpu.memory_space<vmem>>)
      %get3A_585 = arith.constant 1 : i32
      %get3A_586 = arith.index_cast %get3A_585 : i32 to index
      %get3A_587 = arith.constant 0 : index
      %get3A_588 = tpu.vector_load %arg9[%get3A_586, %get3A_587] {strides = array<i32>} : memref<2x128xi32, #tpu.memory_space<vmem>>, vector<1x16xi32>,
      %get3A_589 = vector.shape_cast %get3A_588 : vector<1x16xi32> to vector<16xi32>
      %swap3A_590 = arith.constant 0 : index
      %swap3A_591 = tpu.vector_load %arg11[%swap3A_590] {strides = array<i32>} : memref<128xi32, #tpu.memory_space<vmem>>, vector<16xi32>,
      %swap3A_592 = vector.shape_cast %swap3A_591 : vector<16xi32> to vector<16xi32>
      %swap3A_593 = vector.shape_cast %get3A_589 : vector<16xi32> to vector<16xi32>
      tpu.vector_store %arg11[%swap3A_590], %swap3A_593 {strides = array<i32>} : memref<128xi32, #tpu.memory_space<vmem>>, vector<16xi32>,
      %get3A_594 = arith.constant 1 : i32
      %get3A_595 = arith.index_cast %get3A_594 : i32 to index
      %get3A_596 = arith.constant 16 : index
      %get3A_597 = tpu.vector_load %arg9[%get3A_595, %get3A_596] {strides = array<i32>} : memref<2x128xi32, #tpu.memory_space<vmem>>, vector<1x16xi32>,
      %get3A_598 = vector.shape_cast %get3A_597 : vector<1x16xi32> to vector<16xi32>
      %swap3A_599 = arith.constant 16 : index
      %swap3A_600 = tpu.vector_load %arg11[%swap3A_599] {strides = array<i32>} : memref<128xi32, #tpu.memory_space<vmem>>, vector<16xi32>,
      %swap3A_601 = vector.shape_cast %swap3A_600 : vector<16xi32> to vector<16xi32>
      %swap3A_602 = vector.shape_cast %get3A_598 : vector<16xi32> to vector<16xi32>
      tpu.vector_store %arg11[%swap3A_599], %swap3A_602 {strides = array<i32>} : memref<128xi32, #tpu.memory_space<vmem>>, vector<16xi32>,
      %get3A_603 = arith.constant 1 : i32
      %get3A_604 = arith.index_cast %get3A_603 : i32 to index
      %get3A_605 = arith.constant 32 : index
      %get3A_606 = tpu.vector_load %arg9[%get3A_604, %get3A_605] {strides = array<i32>} : memref<2x128xi32, #tpu.memory_space<vmem>>, vector<1x16xi32>,
      %get3A_607 = vector.shape_cast %get3A_606 : vector<1x16xi32> to vector<16xi32>
      %swap3A_608 = arith.constant 32 : index
      %swap3A_609 = tpu.vector_load %arg11[%swap3A_608] {strides = array<i32>} : memref<128xi32, #tpu.memory_space<vmem>>, vector<16xi32>,
      %swap3A_610 = vector.shape_cast %swap3A_609 : vector<16xi32> to vector<16xi32>
      %swap3A_611 = vector.shape_cast %get3A_607 : vector<16xi32> to vector<16xi32>
      tpu.vector_store %arg11[%swap3A_608], %swap3A_611 {strides = array<i32>} : memref<128xi32, #tpu.memory_space<vmem>>, vector<16xi32>,
      %get3A_612 = arith.constant 1 : i32
      %get3A_613 = arith.index_cast %get3A_612 : i32 to index
      %get3A_614 = arith.constant 48 : index
      %get3A_615 = tpu.vector_load %arg9[%get3A_613, %get3A_614] {strides = array<i32>} : memref<2x128xi32, #tpu.memory_space<vmem>>, vector<1x16xi32>,
      %get3A_616 = vector.shape_cast %get3A_615 : vector<1x16xi32> to vector<16xi32>
      %swap3A_617 = arith.constant 48 : index
      %swap3A_618 = tpu.vector_load %arg11[%swap3A_617] {strides = array<i32>} : memref<128xi32, #tpu.memory_space<vmem>>, vector<16xi32>,
      %swap3A_619 = vector.shape_cast %swap3A_618 : vector<16xi32> to vector<16xi32>
      %swap3A_620 = vector.shape_cast %get3A_616 : vector<16xi32> to vector<16xi32>
      tpu.vector_store %arg11[%swap3A_617], %swap3A_620 {strides = array<i32>} : memref<128xi32, #tpu.memory_space<vmem>>, vector<16xi32>,
      %get3A_621 = arith.constant 1 : i32
      %get3A_622 = arith.index_cast %get3A_621 : i32 to index
      %get3A_623 = arith.constant 64 : index
      %get3A_624 = tpu.vector_load %arg9[%get3A_622, %get3A_623] {strides = array<i32>} : memref<2x128xi32, #tpu.memory_space<vmem>>, vector<1x16xi32>,
      %get3A_625 = vector.shape_cast %get3A_624 : vector<1x16xi32> to vector<16xi32>
      %swap3A_626 = arith.constant 64 : index
      %swap3A_627 = tpu.vector_load %arg11[%swap3A_626] {strides = array<i32>} : memref<128xi32, #tpu.memory_space<vmem>>, vector<16xi32>,
      %swap3A_628 = vector.shape_cast %swap3A_627 : vector<16xi32> to vector<16xi32>
      %swap3A_629 = vector.shape_cast %get3A_625 : vector<16xi32> to vector<16xi32>
      tpu.vector_store %arg11[%swap3A_626], %swap3A_629 {strides = array<i32>} : memref<128xi32, #tpu.memory_space<vmem>>, vector<16xi32>,
      %get3A_630 = arith.constant 1 : i32
      %get3A_631 = arith.index_cast %get3A_630 : i32 to index
      %get3A_632 = arith.constant 80 : index
      %get3A_633 = tpu.vector_load %arg9[%get3A_631, %get3A_632] {strides = array<i32>} : memref<2x128xi32, #tpu.memory_space<vmem>>, vector<1x16xi32>,
      %get3A_634 = vector.shape_cast %get3A_633 : vector<1x16xi32> to vector<16xi32>
      %swap3A_635 = arith.constant 80 : index
      %swap3A_636 = tpu.vector_load %arg11[%swap3A_635] {strides = array<i32>} : memref<128xi32, #tpu.memory_space<vmem>>, vector<16xi32>,
      %swap3A_637 = vector.shape_cast %swap3A_636 : vector<16xi32> to vector<16xi32>
      %swap3A_638 = vector.shape_cast %get3A_634 : vector<16xi32> to vector<16xi32>
      tpu.vector_store %arg11[%swap3A_635], %swap3A_638 {strides = array<i32>} : memref<128xi32, #tpu.memory_space<vmem>>, vector<16xi32>,
      %get3A_639 = arith.constant 1 : i32
      %get3A_640 = arith.index_cast %get3A_639 : i32 to index
      %get3A_641 = arith.constant 96 : index
      %get3A_642 = tpu.vector_load %arg9[%get3A_640, %get3A_641] {strides = array<i32>} : memref<2x128xi32, #tpu.memory_space<vmem>>, vector<1x16xi32>,
      %get3A_643 = vector.shape_cast %get3A_642 : vector<1x16xi32> to vector<16xi32>
      %swap3A_644 = arith.constant 96 : index
      %swap3A_645 = tpu.vector_load %arg11[%swap3A_644] {strides = array<i32>} : memref<128xi32, #tpu.memory_space<vmem>>, vector<16xi32>,
      %swap3A_646 = vector.shape_cast %swap3A_645 : vector<16xi32> to vector<16xi32>
      %swap3A_647 = vector.shape_cast %get3A_643 : vector<16xi32> to vector<16xi32>
      tpu.vector_store %arg11[%swap3A_644], %swap3A_647 {strides = array<i32>} : memref<128xi32, #tpu.memory_space<vmem>>, vector<16xi32>,
      %get3A_648 = arith.constant 1 : i32
      %get3A_649 = arith.index_cast %get3A_648 : i32 to index
      %get3A_650 = arith.constant 112 : index
      %get3A_651 = tpu.vector_load %arg9[%get3A_649, %get3A_650] {strides = array<i32>} : memref<2x128xi32, #tpu.memory_space<vmem>>, vector<1x16xi32>,
      %get3A_652 = vector.shape_cast %get3A_651 : vector<1x16xi32> to vector<16xi32>
      %swap3A_653 = arith.constant 112 : index
      %swap3A_654 = tpu.vector_load %arg11[%swap3A_653] {strides = array<i32>} : memref<128xi32, #tpu.memory_space<vmem>>, vector<16xi32>,
      %swap3A_655 = vector.shape_cast %swap3A_654 : vector<16xi32> to vector<16xi32>
      %swap3A_656 = vector.shape_cast %get3A_652 : vector<16xi32> to vector<16xi32>
      tpu.vector_store %arg11[%swap3A_653], %swap3A_656 {strides = array<i32>} : memref<128xi32, #tpu.memory_space<vmem>>, vector<16xi32>,
      %dma_start3A_657 = arith.constant 0 : i32
      %dma_start3A_658 = arith.constant 0 : i32
      %dma_start3A_659 = tpu.memref_slice %arg6[%dma_start3A_657, %dma_start3A_658] : memref<10240x128xf32, #tpu.memory_space<vmem_shared>> -> memref<10240x128xf32, #tpu.memory_space<vmem_shared>>
      tpu.enqueue_indirect_dma source(%arg13 : memref<128x128xf32, #tpu.memory_space<vmem>>) target(%dma_start3A_659 : memref<10240x128xf32, #tpu.memory_space<vmem_shared>>) offsets(%arg11 : memref<128xi32, #tpu.memory_space<vmem>>) semaphore(%arg23 : memref<!tpu.dma_semaphore, #tpu.memory_space<semaphore_mem>>) {add = true}
      %dma_start3A_660 = arith.constant 0 : i32
      %dma_start3A_661 = tpu.memref_slice %arg7[%dma_start3A_660] : memref<10240xf32, #tpu.memory_space<vmem_shared>> -> memref<10240xf32, #tpu.memory_space<vmem_shared>>
      tpu.enqueue_indirect_dma source(%arg18 : memref<128xf32, #tpu.memory_space<vmem>>) target(%dma_start3A_661 : memref<10240xf32, #tpu.memory_space<vmem_shared>>) offsets(%arg11 : memref<128xi32, #tpu.memory_space<vmem>>) semaphore(%arg25 : memref<!tpu.dma_semaphore, #tpu.memory_space<semaphore_mem>>) {add = true}
      %add3A_662 = arith.constant 2 : i32
      %add3A_663 = arith.addi %add3A_577, %add3A_662 : i32
      %mul3A_664 = arith.constant 78 : i32
      %mul3A_665 = arith.muli %add3A, %mul3A_664 : i32
      %add3A_666 = arith.addi %mul3A_665, %add3A_663 : i32
      %mul3A_667 = arith.constant 128 : i32
      %mul3A_668 = arith.muli %add3A_666, %mul3A_667 : i32
      %multiple_of3A_669 = tpu.assume_multiple %mul3A_668, 128 : i32
      %dma_start3A_670 = arith.constant 0 : i32
      %dma_start3A_671 = tpu.memref_slice %arg3[%dma_start3A_670, %multiple_of3A_669] : memref<2x320000xi32, #tpu.memory_space<hbm>> -> memref<2x128xi32, #tpu.memory_space<hbm>>
      %dma_start3A_672 = arith.constant 0 : i32
      %dma_start3A_673 = tpu.memref_slice %arg3[%dma_start3A_672, %multiple_of3A_669] : memref<2x320000xi32, #tpu.memory_space<hbm>> -> memref<2x128xi32, #tpu.memory_space<hbm>>
      tpu.enqueue_dma source(%dma_start3A_673 : memref<2x128xi32, #tpu.memory_space<hbm>>) target(%arg9 : memref<2x128xi32, #tpu.memory_space<vmem>>) target_semaphore(%arg27 : memref<!tpu.dma_semaphore, #tpu.memory_space<semaphore_mem>>)
      %dma_wait3A_674 = arith.constant 0 : i32
      %dma_wait3A_675 = arith.constant 0 : i32
      %dma_wait3A_676 = tpu.memref_slice %arg6[%dma_wait3A_674, %dma_wait3A_675] : memref<10240x128xf32, #tpu.memory_space<vmem_shared>> -> memref<10240x128xf32, #tpu.memory_space<vmem_shared>>
      tpu.wait_indirect_dma semaphore(%arg22 : memref<!tpu.dma_semaphore, #tpu.memory_space<semaphore_mem>>) src(%arg12 : memref<128x128xf32, #tpu.memory_space<vmem>>) dst(%dma_wait3A_676 : memref<10240x128xf32, #tpu.memory_space<vmem_shared>>)
      %dma_wait3A_677 = arith.constant 0 : i32
      %dma_wait3A_678 = tpu.memref_slice %arg7[%dma_wait3A_677] : memref<10240xf32, #tpu.memory_space<vmem_shared>> -> memref<10240xf32, #tpu.memory_space<vmem_shared>>
      tpu.wait_indirect_dma semaphore(%arg24 : memref<!tpu.dma_semaphore, #tpu.memory_space<semaphore_mem>>) src(%arg18 : memref<128xf32, #tpu.memory_space<vmem>>) dst(%dma_wait3A_678 : memref<10240xf32, #tpu.memory_space<vmem_shared>>)
      %add3A_679 = arith.constant 1 : i32
      %add3A_680 = arith.addi %add3A_577, %add3A_679 : i32
      %mul3A_681 = arith.constant 78 : i32
      %mul3A_682 = arith.muli %add3A, %mul3A_681 : i32
      %add3A_683 = arith.addi %mul3A_682, %add3A_680 : i32
      %mul3A_684 = arith.constant 128 : i32
      %mul3A_685 = arith.muli %add3A_683, %mul3A_684 : i32
      %multiple_of3A_686 = tpu.assume_multiple %mul3A_685, 128 : i32
      %dma_wait3A_687 = arith.constant 0 : i32
      %dma_wait3A_688 = tpu.memref_slice %arg3[%dma_wait3A_687, %multiple_of3A_686] : memref<2x320000xi32, #tpu.memory_space<hbm>> -> memref<2x128xi32, #tpu.memory_space<hbm>>
      %dma_wait3A_689 = arith.constant 0 : i32
      %dma_wait3A_690 = tpu.memref_slice %arg3[%dma_wait3A_689, %multiple_of3A_686] : memref<2x320000xi32, #tpu.memory_space<hbm>> -> memref<2x128xi32, #tpu.memory_space<hbm>>
      tpu.wait_dma2 semaphore(%arg26 : memref<!tpu.dma_semaphore, #tpu.memory_space<semaphore_mem>>) src(%dma_wait3A_690 : memref<2x128xi32, #tpu.memory_space<hbm>>) dst(%arg8 : memref<2x128xi32, #tpu.memory_space<vmem>>)
      %dma_start3A_691 = arith.constant 0 : i32
      %dma_start3A_692 = arith.constant 0 : i32
      %dma_start3A_693 = tpu.memref_slice %arg8[%dma_start3A_691, %dma_start3A_692] : memref<2x128xi32, #tpu.memory_space<vmem>> -> memref<1x128xi32, #tpu.memory_space<vmem>>
      %dma_start3A_694 = tpu.memref_squeeze %dma_start3A_693 : memref<1x128xi32, #tpu.memory_space<vmem>> -> memref<128xi32, #tpu.memory_space<vmem>>
      %dma_start3A_695 = arith.constant 0 : i32
      %dma_start3A_696 = arith.constant 0 : i32
      %dma_start3A_697 = tpu.memref_slice %arg2[%dma_start3A_695, %dma_start3A_696] : memref<10000x128xf32, #tpu.memory_space<hbm>> -> memref<10000x128xf32, #tpu.memory_space<hbm>>
      tpu.enqueue_indirect_dma source(%dma_start3A_697 : memref<10000x128xf32, #tpu.memory_space<hbm>>) target(%arg12 : memref<128x128xf32, #tpu.memory_space<vmem>>) offsets(%dma_start3A_694 : memref<128xi32, #tpu.memory_space<vmem>>) semaphore(%arg20 : memref<!tpu.dma_semaphore, #tpu.memory_space<semaphore_mem>>)
      %add3A_698 = arith.constant 1 : i32
      %add3A_699 = arith.addi %add3A_577, %add3A_698 : i32
      %dma_wait3A_700 = arith.constant 0 : i32
      %dma_wait3A_701 = arith.constant 0 : i32
      %dma_wait3A_702 = tpu.memref_slice %arg8[%dma_wait3A_700, %dma_wait3A_701] : memref<2x128xi32, #tpu.memory_space<vmem>> -> memref<1x128xi32, #tpu.memory_space<vmem>>
      %dma_wait3A_703 = tpu.memref_squeeze %dma_wait3A_702 : memref<1x128xi32, #tpu.memory_space<vmem>> -> memref<128xi32, #tpu.memory_space<vmem>>
      %dma_wait3A_704 = arith.constant 0 : i32
      %dma_wait3A_705 = arith.constant 0 : i32
      %dma_wait3A_706 = tpu.memref_slice %arg2[%dma_wait3A_704, %dma_wait3A_705] : memref<10000x128xf32, #tpu.memory_space<hbm>> -> memref<10000x128xf32, #tpu.memory_space<hbm>>
      tpu.wait_indirect_dma semaphore(%arg20 : memref<!tpu.dma_semaphore, #tpu.memory_space<semaphore_mem>>) src(%dma_wait3A_706 : memref<10000x128xf32, #tpu.memory_space<hbm>>) dst(%arg12 : memref<128x128xf32, #tpu.memory_space<vmem>>)
      %get3A_707 = arith.constant 1 : i32
      %get3A_708 = arith.index_cast %get3A_707 : i32 to index
      %get3A_709 = arith.constant 0 : index
      %get3A_710 = tpu.vector_load %arg8[%get3A_708, %get3A_709] {strides = array<i32>} : memref<2x128xi32, #tpu.memory_space<vmem>>, vector<1x16xi32>,
      %get3A_711 = vector.shape_cast %get3A_710 : vector<1x16xi32> to vector<16xi32>
      %swap3A_712 = arith.constant 0 : index
      %swap3A_713 = tpu.vector_load %arg10[%swap3A_712] {strides = array<i32>} : memref<128xi32, #tpu.memory_space<vmem>>, vector<16xi32>,
      %swap3A_714 = vector.shape_cast %swap3A_713 : vector<16xi32> to vector<16xi32>
      %swap3A_715 = vector.shape_cast %get3A_711 : vector<16xi32> to vector<16xi32>
      tpu.vector_store %arg10[%swap3A_712], %swap3A_715 {strides = array<i32>} : memref<128xi32, #tpu.memory_space<vmem>>, vector<16xi32>,
      %get3A_716 = arith.constant 1 : i32
      %get3A_717 = arith.index_cast %get3A_716 : i32 to index
      %get3A_718 = arith.constant 16 : index
      %get3A_719 = tpu.vector_load %arg8[%get3A_717, %get3A_718] {strides = array<i32>} : memref<2x128xi32, #tpu.memory_space<vmem>>, vector<1x16xi32>,
      %get3A_720 = vector.shape_cast %get3A_719 : vector<1x16xi32> to vector<16xi32>
      %swap3A_721 = arith.constant 16 : index
      %swap3A_722 = tpu.vector_load %arg10[%swap3A_721] {strides = array<i32>} : memref<128xi32, #tpu.memory_space<vmem>>, vector<16xi32>,
      %swap3A_723 = vector.shape_cast %swap3A_722 : vector<16xi32> to vector<16xi32>
      %swap3A_724 = vector.shape_cast %get3A_720 : vector<16xi32> to vector<16xi32>
      tpu.vector_store %arg10[%swap3A_721], %swap3A_724 {strides = array<i32>} : memref<128xi32, #tpu.memory_space<vmem>>, vector<16xi32>,
      %get3A_725 = arith.constant 1 : i32
      %get3A_726 = arith.index_cast %get3A_725 : i32 to index
      %get3A_727 = arith.constant 32 : index
      %get3A_728 = tpu.vector_load %arg8[%get3A_726, %get3A_727] {strides = array<i32>} : memref<2x128xi32, #tpu.memory_space<vmem>>, vector<1x16xi32>,
      %get3A_729 = vector.shape_cast %get3A_728 : vector<1x16xi32> to vector<16xi32>
      %swap3A_730 = arith.constant 32 : index
      %swap3A_731 = tpu.vector_load %arg10[%swap3A_730] {strides = array<i32>} : memref<128xi32, #tpu.memory_space<vmem>>, vector<16xi32>,
      %swap3A_732 = vector.shape_cast %swap3A_731 : vector<16xi32> to vector<16xi32>
      %swap3A_733 = vector.shape_cast %get3A_729 : vector<16xi32> to vector<16xi32>
      tpu.vector_store %arg10[%swap3A_730], %swap3A_733 {strides = array<i32>} : memref<128xi32, #tpu.memory_space<vmem>>, vector<16xi32>,
      %get3A_734 = arith.constant 1 : i32
      %get3A_735 = arith.index_cast %get3A_734 : i32 to index
      %get3A_736 = arith.constant 48 : index
      %get3A_737 = tpu.vector_load %arg8[%get3A_735, %get3A_736] {strides = array<i32>} : memref<2x128xi32, #tpu.memory_space<vmem>>, vector<1x16xi32>,
      %get3A_738 = vector.shape_cast %get3A_737 : vector<1x16xi32> to vector<16xi32>
      %swap3A_739 = arith.constant 48 : index
      %swap3A_740 = tpu.vector_load %arg10[%swap3A_739] {strides = array<i32>} : memref<128xi32, #tpu.memory_space<vmem>>, vector<16xi32>,
      %swap3A_741 = vector.shape_cast %swap3A_740 : vector<16xi32> to vector<16xi32>
      %swap3A_742 = vector.shape_cast %get3A_738 : vector<16xi32> to vector<16xi32>
      tpu.vector_store %arg10[%swap3A_739], %swap3A_742 {strides = array<i32>} : memref<128xi32, #tpu.memory_space<vmem>>, vector<16xi32>,
      %get3A_743 = arith.constant 1 : i32
      %get3A_744 = arith.index_cast %get3A_743 : i32 to index
      %get3A_745 = arith.constant 64 : index
      %get3A_746 = tpu.vector_load %arg8[%get3A_744, %get3A_745] {strides = array<i32>} : memref<2x128xi32, #tpu.memory_space<vmem>>, vector<1x16xi32>,
      %get3A_747 = vector.shape_cast %get3A_746 : vector<1x16xi32> to vector<16xi32>
      %swap3A_748 = arith.constant 64 : index
      %swap3A_749 = tpu.vector_load %arg10[%swap3A_748] {strides = array<i32>} : memref<128xi32, #tpu.memory_space<vmem>>, vector<16xi32>,
      %swap3A_750 = vector.shape_cast %swap3A_749 : vector<16xi32> to vector<16xi32>
      %swap3A_751 = vector.shape_cast %get3A_747 : vector<16xi32> to vector<16xi32>
      tpu.vector_store %arg10[%swap3A_748], %swap3A_751 {strides = array<i32>} : memref<128xi32, #tpu.memory_space<vmem>>, vector<16xi32>,
      %get3A_752 = arith.constant 1 : i32
      %get3A_753 = arith.index_cast %get3A_752 : i32 to index
      %get3A_754 = arith.constant 80 : index
      %get3A_755 = tpu.vector_load %arg8[%get3A_753, %get3A_754] {strides = array<i32>} : memref<2x128xi32, #tpu.memory_space<vmem>>, vector<1x16xi32>,
      %get3A_756 = vector.shape_cast %get3A_755 : vector<1x16xi32> to vector<16xi32>
      %swap3A_757 = arith.constant 80 : index
      %swap3A_758 = tpu.vector_load %arg10[%swap3A_757] {strides = array<i32>} : memref<128xi32, #tpu.memory_space<vmem>>, vector<16xi32>,
      %swap3A_759 = vector.shape_cast %swap3A_758 : vector<16xi32> to vector<16xi32>
      %swap3A_760 = vector.shape_cast %get3A_756 : vector<16xi32> to vector<16xi32>
      tpu.vector_store %arg10[%swap3A_757], %swap3A_760 {strides = array<i32>} : memref<128xi32, #tpu.memory_space<vmem>>, vector<16xi32>,
      %get3A_761 = arith.constant 1 : i32
      %get3A_762 = arith.index_cast %get3A_761 : i32 to index
      %get3A_763 = arith.constant 96 : index
      %get3A_764 = tpu.vector_load %arg8[%get3A_762, %get3A_763] {strides = array<i32>} : memref<2x128xi32, #tpu.memory_space<vmem>>, vector<1x16xi32>,
      %get3A_765 = vector.shape_cast %get3A_764 : vector<1x16xi32> to vector<16xi32>
      %swap3A_766 = arith.constant 96 : index
      %swap3A_767 = tpu.vector_load %arg10[%swap3A_766] {strides = array<i32>} : memref<128xi32, #tpu.memory_space<vmem>>, vector<16xi32>,
      %swap3A_768 = vector.shape_cast %swap3A_767 : vector<16xi32> to vector<16xi32>
      %swap3A_769 = vector.shape_cast %get3A_765 : vector<16xi32> to vector<16xi32>
      tpu.vector_store %arg10[%swap3A_766], %swap3A_769 {strides = array<i32>} : memref<128xi32, #tpu.memory_space<vmem>>, vector<16xi32>,
      %get3A_770 = arith.constant 1 : i32
      %get3A_771 = arith.index_cast %get3A_770 : i32 to index
      %get3A_772 = arith.constant 112 : index
      %get3A_773 = tpu.vector_load %arg8[%get3A_771, %get3A_772] {strides = array<i32>} : memref<2x128xi32, #tpu.memory_space<vmem>>, vector<1x16xi32>,
      %get3A_774 = vector.shape_cast %get3A_773 : vector<1x16xi32> to vector<16xi32>
      %swap3A_775 = arith.constant 112 : index
      %swap3A_776 = tpu.vector_load %arg10[%swap3A_775] {strides = array<i32>} : memref<128xi32, #tpu.memory_space<vmem>>, vector<16xi32>,
      %swap3A_777 = vector.shape_cast %swap3A_776 : vector<16xi32> to vector<16xi32>
      %swap3A_778 = vector.shape_cast %get3A_774 : vector<16xi32> to vector<16xi32>
      tpu.vector_store %arg10[%swap3A_775], %swap3A_778 {strides = array<i32>} : memref<128xi32, #tpu.memory_space<vmem>>, vector<16xi32>,
      %dma_start3A_779 = arith.constant 0 : i32
      %dma_start3A_780 = arith.constant 0 : i32
      %dma_start3A_781 = tpu.memref_slice %arg6[%dma_start3A_779, %dma_start3A_780] : memref<10240x128xf32, #tpu.memory_space<vmem_shared>> -> memref<10240x128xf32, #tpu.memory_space<vmem_shared>>
      tpu.enqueue_indirect_dma source(%arg12 : memref<128x128xf32, #tpu.memory_space<vmem>>) target(%dma_start3A_781 : memref<10240x128xf32, #tpu.memory_space<vmem_shared>>) offsets(%arg10 : memref<128xi32, #tpu.memory_space<vmem>>) semaphore(%arg22 : memref<!tpu.dma_semaphore, #tpu.memory_space<semaphore_mem>>) {add = true}
      %dma_start3A_782 = arith.constant 0 : i32
      %dma_start3A_783 = tpu.memref_slice %arg7[%dma_start3A_782] : memref<10240xf32, #tpu.memory_space<vmem_shared>> -> memref<10240xf32, #tpu.memory_space<vmem_shared>>
      tpu.enqueue_indirect_dma source(%arg18 : memref<128xf32, #tpu.memory_space<vmem>>) target(%dma_start3A_783 : memref<10240xf32, #tpu.memory_space<vmem_shared>>) offsets(%arg10 : memref<128xi32, #tpu.memory_space<vmem>>) semaphore(%arg24 : memref<!tpu.dma_semaphore, #tpu.memory_space<semaphore_mem>>) {add = true}
      %add3A_784 = arith.constant 2 : i32
      %add3A_785 = arith.addi %add3A_699, %add3A_784 : i32
      %mul3A_786 = arith.constant 78 : i32
      %mul3A_787 = arith.muli %add3A, %mul3A_786 : i32
      %add3A_788 = arith.addi %mul3A_787, %add3A_785 : i32
      %mul3A_789 = arith.constant 128 : i32
      %mul3A_790 = arith.muli %add3A_788, %mul3A_789 : i32
      %multiple_of3A_791 = tpu.assume_multiple %mul3A_790, 128 : i32
      %dma_start3A_792 = arith.constant 0 : i32
      %dma_start3A_793 = tpu.memref_slice %arg3[%dma_start3A_792, %multiple_of3A_791] : memref<2x320000xi32, #tpu.memory_space<hbm>> -> memref<2x128xi32, #tpu.memory_space<hbm>>
      %dma_start3A_794 = arith.constant 0 : i32
      %dma_start3A_795 = tpu.memref_slice %arg3[%dma_start3A_794, %multiple_of3A_791] : memref<2x320000xi32, #tpu.memory_space<hbm>> -> memref<2x128xi32, #tpu.memory_space<hbm>>
      tpu.enqueue_dma source(%dma_start3A_795 : memref<2x128xi32, #tpu.memory_space<hbm>>) target(%arg8 : memref<2x128xi32, #tpu.memory_space<vmem>>) target_semaphore(%arg26 : memref<!tpu.dma_semaphore, #tpu.memory_space<semaphore_mem>>)
      %dma_wait3A_796 = arith.constant 0 : i32
      %dma_wait3A_797 = arith.constant 0 : i32
      %dma_wait3A_798 = tpu.memref_slice %arg6[%dma_wait3A_796, %dma_wait3A_797] : memref<10240x128xf32, #tpu.memory_space<vmem_shared>> -> memref<10240x128xf32, #tpu.memory_space<vmem_shared>>
      tpu.wait_indirect_dma semaphore(%arg23 : memref<!tpu.dma_semaphore, #tpu.memory_space<semaphore_mem>>) src(%arg13 : memref<128x128xf32, #tpu.memory_space<vmem>>) dst(%dma_wait3A_798 : memref<10240x128xf32, #tpu.memory_space<vmem_shared>>)
      %dma_wait3A_799 = arith.constant 0 : i32
      %dma_wait3A_800 = tpu.memref_slice %arg7[%dma_wait3A_799] : memref<10240xf32, #tpu.memory_space<vmem_shared>> -> memref<10240xf32, #tpu.memory_space<vmem_shared>>
      tpu.wait_indirect_dma semaphore(%arg25 : memref<!tpu.dma_semaphore, #tpu.memory_space<semaphore_mem>>) src(%arg18 : memref<128xf32, #tpu.memory_space<vmem>>) dst(%dma_wait3A_800 : memref<10240xf32, #tpu.memory_space<vmem_shared>>)
      %add3A_801 = arith.constant 1 : i32
      %add3A_802 = arith.addi %add3A_699, %add3A_801 : i32
      %mul3A_803 = arith.constant 78 : i32
      %mul3A_804 = arith.muli %add3A, %mul3A_803 : i32
      %add3A_805 = arith.addi %mul3A_804, %add3A_802 : i32
      %mul3A_806 = arith.constant 128 : i32
      %mul3A_807 = arith.muli %add3A_805, %mul3A_806 : i32
      %multiple_of3A_808 = tpu.assume_multiple %mul3A_807, 128 : i32
      %dma_wait3A_809 = arith.constant 0 : i32
      %dma_wait3A_810 = tpu.memref_slice %arg3[%dma_wait3A_809, %multiple_of3A_808] : memref<2x320000xi32, #tpu.memory_space<hbm>> -> memref<2x128xi32, #tpu.memory_space<hbm>>
      %dma_wait3A_811 = arith.constant 0 : i32
      %dma_wait3A_812 = tpu.memref_slice %arg3[%dma_wait3A_811, %multiple_of3A_808] : memref<2x320000xi32, #tpu.memory_space<hbm>> -> memref<2x128xi32, #tpu.memory_space<hbm>>
      tpu.wait_dma2 semaphore(%arg27 : memref<!tpu.dma_semaphore, #tpu.memory_space<semaphore_mem>>) src(%dma_wait3A_812 : memref<2x128xi32, #tpu.memory_space<hbm>>) dst(%arg9 : memref<2x128xi32, #tpu.memory_space<vmem>>)
      %dma_start3A_813 = arith.constant 0 : i32
      %dma_start3A_814 = arith.constant 0 : i32
      %dma_start3A_815 = tpu.memref_slice %arg9[%dma_start3A_813, %dma_start3A_814] : memref<2x128xi32, #tpu.memory_space<vmem>> -> memref<1x128xi32, #tpu.memory_space<vmem>>
      %dma_start3A_816 = tpu.memref_squeeze %dma_start3A_815 : memref<1x128xi32, #tpu.memory_space<vmem>> -> memref<128xi32, #tpu.memory_space<vmem>>
      %dma_start3A_817 = arith.constant 0 : i32
      %dma_start3A_818 = arith.constant 0 : i32
      %dma_start3A_819 = tpu.memref_slice %arg2[%dma_start3A_817, %dma_start3A_818] : memref<10000x128xf32, #tpu.memory_space<hbm>> -> memref<10000x128xf32, #tpu.memory_space<hbm>>
      tpu.enqueue_indirect_dma source(%dma_start3A_819 : memref<10000x128xf32, #tpu.memory_space<hbm>>) target(%arg13 : memref<128x128xf32, #tpu.memory_space<vmem>>) offsets(%dma_start3A_816 : memref<128xi32, #tpu.memory_space<vmem>>) semaphore(%arg21 : memref<!tpu.dma_semaphore, #tpu.memory_space<semaphore_mem>>)
      %scan3A_820 = arith.constant 0 : i32
      scf.yield %scan3A_820 : i32
    }
    %scan3A_229 = arith.constant 37 : i32
    %dma_wait3A_230 = arith.constant 0 : i32
    %dma_wait3A_231 = arith.constant 0 : i32
    %dma_wait3A_232 = tpu.memref_slice %arg9[%dma_wait3A_230, %dma_wait3A_231] : memref<2x128xi32, #tpu.memory_space<vmem>> -> memref<1x128xi32, #tpu.memory_space<vmem>>
    %dma_wait3A_233 = tpu.memref_squeeze %dma_wait3A_232 : memref<1x128xi32, #tpu.memory_space<vmem>> -> memref<128xi32, #tpu.memory_space<vmem>>
    %dma_wait3A_234 = arith.constant 0 : i32
    %dma_wait3A_235 = arith.constant 0 : i32
    %dma_wait3A_236 = tpu.memref_slice %arg2[%dma_wait3A_234, %dma_wait3A_235] : memref<10000x128xf32, #tpu.memory_space<hbm>> -> memref<10000x128xf32, #tpu.memory_space<hbm>>
    tpu.wait_indirect_dma semaphore(%arg21 : memref<!tpu.dma_semaphore, #tpu.memory_space<semaphore_mem>>) src(%dma_wait3A_236 : memref<10000x128xf32, #tpu.memory_space<hbm>>) dst(%arg13 : memref<128x128xf32, #tpu.memory_space<vmem>>)
    %get3A_237 = arith.constant 1 : i32
    %get3A_238 = arith.index_cast %get3A_237 : i32 to index
    %get3A_239 = arith.constant 0 : index
    %get3A_240 = tpu.vector_load %arg9[%get3A_238, %get3A_239] {strides = array<i32>} : memref<2x128xi32, #tpu.memory_space<vmem>>, vector<1x16xi32>,
    %get3A_241 = vector.shape_cast %get3A_240 : vector<1x16xi32> to vector<16xi32>
    %swap3A_242 = arith.constant 0 : index
    %swap3A_243 = tpu.vector_load %arg11[%swap3A_242] {strides = array<i32>} : memref<128xi32, #tpu.memory_space<vmem>>, vector<16xi32>,
    %swap3A_244 = vector.shape_cast %swap3A_243 : vector<16xi32> to vector<16xi32>
    %swap3A_245 = vector.shape_cast %get3A_241 : vector<16xi32> to vector<16xi32>
    tpu.vector_store %arg11[%swap3A_242], %swap3A_245 {strides = array<i32>} : memref<128xi32, #tpu.memory_space<vmem>>, vector<16xi32>,
    %get3A_246 = arith.constant 1 : i32
    %get3A_247 = arith.index_cast %get3A_246 : i32 to index
    %get3A_248 = arith.constant 16 : index
    %get3A_249 = tpu.vector_load %arg9[%get3A_247, %get3A_248] {strides = array<i32>} : memref<2x128xi32, #tpu.memory_space<vmem>>, vector<1x16xi32>,
    %get3A_250 = vector.shape_cast %get3A_249 : vector<1x16xi32> to vector<16xi32>
    %swap3A_251 = arith.constant 16 : index
    %swap3A_252 = tpu.vector_load %arg11[%swap3A_251] {strides = array<i32>} : memref<128xi32, #tpu.memory_space<vmem>>, vector<16xi32>,
    %swap3A_253 = vector.shape_cast %swap3A_252 : vector<16xi32> to vector<16xi32>
    %swap3A_254 = vector.shape_cast %get3A_250 : vector<16xi32> to vector<16xi32>
    tpu.vector_store %arg11[%swap3A_251], %swap3A_254 {strides = array<i32>} : memref<128xi32, #tpu.memory_space<vmem>>, vector<16xi32>,
    %get3A_255 = arith.constant 1 : i32
    %get3A_256 = arith.index_cast %get3A_255 : i32 to index
    %get3A_257 = arith.constant 32 : index
    %get3A_258 = tpu.vector_load %arg9[%get3A_256, %get3A_257] {strides = array<i32>} : memref<2x128xi32, #tpu.memory_space<vmem>>, vector<1x16xi32>,
    %get3A_259 = vector.shape_cast %get3A_258 : vector<1x16xi32> to vector<16xi32>
    %swap3A_260 = arith.constant 32 : index
    %swap3A_261 = tpu.vector_load %arg11[%swap3A_260] {strides = array<i32>} : memref<128xi32, #tpu.memory_space<vmem>>, vector<16xi32>,
    %swap3A_262 = vector.shape_cast %swap3A_261 : vector<16xi32> to vector<16xi32>
    %swap3A_263 = vector.shape_cast %get3A_259 : vector<16xi32> to vector<16xi32>
    tpu.vector_store %arg11[%swap3A_260], %swap3A_263 {strides = array<i32>} : memref<128xi32, #tpu.memory_space<vmem>>, vector<16xi32>,
    %get3A_264 = arith.constant 1 : i32
    %get3A_265 = arith.index_cast %get3A_264 : i32 to index
    %get3A_266 = arith.constant 48 : index
    %get3A_267 = tpu.vector_load %arg9[%get3A_265, %get3A_266] {strides = array<i32>} : memref<2x128xi32, #tpu.memory_space<vmem>>, vector<1x16xi32>,
    %get3A_268 = vector.shape_cast %get3A_267 : vector<1x16xi32> to vector<16xi32>
    %swap3A_269 = arith.constant 48 : index
    %swap3A_270 = tpu.vector_load %arg11[%swap3A_269] {strides = array<i32>} : memref<128xi32, #tpu.memory_space<vmem>>, vector<16xi32>,
    %swap3A_271 = vector.shape_cast %swap3A_270 : vector<16xi32> to vector<16xi32>
    %swap3A_272 = vector.shape_cast %get3A_268 : vector<16xi32> to vector<16xi32>
    tpu.vector_store %arg11[%swap3A_269], %swap3A_272 {strides = array<i32>} : memref<128xi32, #tpu.memory_space<vmem>>, vector<16xi32>,
    %get3A_273 = arith.constant 1 : i32
    %get3A_274 = arith.index_cast %get3A_273 : i32 to index
    %get3A_275 = arith.constant 64 : index
    %get3A_276 = tpu.vector_load %arg9[%get3A_274, %get3A_275] {strides = array<i32>} : memref<2x128xi32, #tpu.memory_space<vmem>>, vector<1x16xi32>,
    %get3A_277 = vector.shape_cast %get3A_276 : vector<1x16xi32> to vector<16xi32>
    %swap3A_278 = arith.constant 64 : index
    %swap3A_279 = tpu.vector_load %arg11[%swap3A_278] {strides = array<i32>} : memref<128xi32, #tpu.memory_space<vmem>>, vector<16xi32>,
    %swap3A_280 = vector.shape_cast %swap3A_279 : vector<16xi32> to vector<16xi32>
    %swap3A_281 = vector.shape_cast %get3A_277 : vector<16xi32> to vector<16xi32>
    tpu.vector_store %arg11[%swap3A_278], %swap3A_281 {strides = array<i32>} : memref<128xi32, #tpu.memory_space<vmem>>, vector<16xi32>,
    %get3A_282 = arith.constant 1 : i32
    %get3A_283 = arith.index_cast %get3A_282 : i32 to index
    %get3A_284 = arith.constant 80 : index
    %get3A_285 = tpu.vector_load %arg9[%get3A_283, %get3A_284] {strides = array<i32>} : memref<2x128xi32, #tpu.memory_space<vmem>>, vector<1x16xi32>,
    %get3A_286 = vector.shape_cast %get3A_285 : vector<1x16xi32> to vector<16xi32>
    %swap3A_287 = arith.constant 80 : index
    %swap3A_288 = tpu.vector_load %arg11[%swap3A_287] {strides = array<i32>} : memref<128xi32, #tpu.memory_space<vmem>>, vector<16xi32>,
    %swap3A_289 = vector.shape_cast %swap3A_288 : vector<16xi32> to vector<16xi32>
    %swap3A_290 = vector.shape_cast %get3A_286 : vector<16xi32> to vector<16xi32>
    tpu.vector_store %arg11[%swap3A_287], %swap3A_290 {strides = array<i32>} : memref<128xi32, #tpu.memory_space<vmem>>, vector<16xi32>,
    %get3A_291 = arith.constant 1 : i32
    %get3A_292 = arith.index_cast %get3A_291 : i32 to index
    %get3A_293 = arith.constant 96 : index
    %get3A_294 = tpu.vector_load %arg9[%get3A_292, %get3A_293] {strides = array<i32>} : memref<2x128xi32, #tpu.memory_space<vmem>>, vector<1x16xi32>,
    %get3A_295 = vector.shape_cast %get3A_294 : vector<1x16xi32> to vector<16xi32>
    %swap3A_296 = arith.constant 96 : index
    %swap3A_297 = tpu.vector_load %arg11[%swap3A_296] {strides = array<i32>} : memref<128xi32, #tpu.memory_space<vmem>>, vector<16xi32>,
    %swap3A_298 = vector.shape_cast %swap3A_297 : vector<16xi32> to vector<16xi32>
    %swap3A_299 = vector.shape_cast %get3A_295 : vector<16xi32> to vector<16xi32>
    tpu.vector_store %arg11[%swap3A_296], %swap3A_299 {strides = array<i32>} : memref<128xi32, #tpu.memory_space<vmem>>, vector<16xi32>,
    %get3A_300 = arith.constant 1 : i32
    %get3A_301 = arith.index_cast %get3A_300 : i32 to index
    %get3A_302 = arith.constant 112 : index
    %get3A_303 = tpu.vector_load %arg9[%get3A_301, %get3A_302] {strides = array<i32>} : memref<2x128xi32, #tpu.memory_space<vmem>>, vector<1x16xi32>,
    %get3A_304 = vector.shape_cast %get3A_303 : vector<1x16xi32> to vector<16xi32>
    %swap3A_305 = arith.constant 112 : index
    %swap3A_306 = tpu.vector_load %arg11[%swap3A_305] {strides = array<i32>} : memref<128xi32, #tpu.memory_space<vmem>>, vector<16xi32>,
    %swap3A_307 = vector.shape_cast %swap3A_306 : vector<16xi32> to vector<16xi32>
    %swap3A_308 = vector.shape_cast %get3A_304 : vector<16xi32> to vector<16xi32>
    tpu.vector_store %arg11[%swap3A_305], %swap3A_308 {strides = array<i32>} : memref<128xi32, #tpu.memory_space<vmem>>, vector<16xi32>,
    %dma_start3A_309 = arith.constant 0 : i32
    %dma_start3A_310 = arith.constant 0 : i32
    %dma_start3A_311 = tpu.memref_slice %arg6[%dma_start3A_309, %dma_start3A_310] : memref<10240x128xf32, #tpu.memory_space<vmem_shared>> -> memref<10240x128xf32, #tpu.memory_space<vmem_shared>>
    tpu.enqueue_indirect_dma source(%arg13 : memref<128x128xf32, #tpu.memory_space<vmem>>) target(%dma_start3A_311 : memref<10240x128xf32, #tpu.memory_space<vmem_shared>>) offsets(%arg11 : memref<128xi32, #tpu.memory_space<vmem>>) semaphore(%arg23 : memref<!tpu.dma_semaphore, #tpu.memory_space<semaphore_mem>>) {add = true}
    %dma_start3A_312 = arith.constant 0 : i32
    %dma_start3A_313 = tpu.memref_slice %arg7[%dma_start3A_312] : memref<10240xf32, #tpu.memory_space<vmem_shared>> -> memref<10240xf32, #tpu.memory_space<vmem_shared>>
    tpu.enqueue_indirect_dma source(%arg18 : memref<128xf32, #tpu.memory_space<vmem>>) target(%dma_start3A_313 : memref<10240xf32, #tpu.memory_space<vmem_shared>>) offsets(%arg11 : memref<128xi32, #tpu.memory_space<vmem>>) semaphore(%arg25 : memref<!tpu.dma_semaphore, #tpu.memory_space<semaphore_mem>>) {add = true}
    %mul3A_314 = arith.constant 78 : i32
    %mul3A_315 = arith.muli %add3A, %mul3A_314 : i32
    %add3A_316 = arith.constant 77 : i32
    %add3A_317 = arith.addi %mul3A_315, %add3A_316 : i32
    %mul3A_318 = arith.constant 128 : i32
    %mul3A_319 = arith.muli %add3A_317, %mul3A_318 : i32
    %multiple_of3A_320 = tpu.assume_multiple %mul3A_319, 128 : i32
    %dma_start3A_321 = arith.constant 0 : i32
    %dma_start3A_322 = tpu.memref_slice %arg3[%dma_start3A_321, %multiple_of3A_320] : memref<2x320000xi32, #tpu.memory_space<hbm>> -> memref<2x128xi32, #tpu.memory_space<hbm>>
    %dma_start3A_323 = arith.constant 0 : i32
    %dma_start3A_324 = tpu.memref_slice %arg3[%dma_start3A_323, %multiple_of3A_320] : memref<2x320000xi32, #tpu.memory_space<hbm>> -> memref<2x128xi32, #tpu.memory_space<hbm>>
    tpu.enqueue_dma source(%dma_start3A_324 : memref<2x128xi32, #tpu.memory_space<hbm>>) target(%arg9 : memref<2x128xi32, #tpu.memory_space<vmem>>) target_semaphore(%arg27 : memref<!tpu.dma_semaphore, #tpu.memory_space<semaphore_mem>>)
    %dma_wait3A_325 = arith.constant 0 : i32
    %dma_wait3A_326 = arith.constant 0 : i32
    %dma_wait3A_327 = tpu.memref_slice %arg6[%dma_wait3A_325, %dma_wait3A_326] : memref<10240x128xf32, #tpu.memory_space<vmem_shared>> -> memref<10240x128xf32, #tpu.memory_space<vmem_shared>>
    tpu.wait_indirect_dma semaphore(%arg22 : memref<!tpu.dma_semaphore, #tpu.memory_space<semaphore_mem>>) src(%arg12 : memref<128x128xf32, #tpu.memory_space<vmem>>) dst(%dma_wait3A_327 : memref<10240x128xf32, #tpu.memory_space<vmem_shared>>)
    %dma_wait3A_328 = arith.constant 0 : i32
    %dma_wait3A_329 = tpu.memref_slice %arg7[%dma_wait3A_328] : memref<10240xf32, #tpu.memory_space<vmem_shared>> -> memref<10240xf32, #tpu.memory_space<vmem_shared>>
    tpu.wait_indirect_dma semaphore(%arg24 : memref<!tpu.dma_semaphore, #tpu.memory_space<semaphore_mem>>) src(%arg18 : memref<128xf32, #tpu.memory_space<vmem>>) dst(%dma_wait3A_329 : memref<10240xf32, #tpu.memory_space<vmem_shared>>)
    %mul3A_330 = arith.constant 78 : i32
    %mul3A_331 = arith.muli %add3A, %mul3A_330 : i32
    %add3A_332 = arith.constant 76 : i32
    %add3A_333 = arith.addi %mul3A_331, %add3A_332 : i32
    %mul3A_334 = arith.constant 128 : i32
    %mul3A_335 = arith.muli %add3A_333, %mul3A_334 : i32
    %multiple_of3A_336 = tpu.assume_multiple %mul3A_335, 128 : i32
    %dma_wait3A_337 = arith.constant 0 : i32
    %dma_wait3A_338 = tpu.memref_slice %arg3[%dma_wait3A_337, %multiple_of3A_336] : memref<2x320000xi32, #tpu.memory_space<hbm>> -> memref<2x128xi32, #tpu.memory_space<hbm>>
    %dma_wait3A_339 = arith.constant 0 : i32
    %dma_wait3A_340 = tpu.memref_slice %arg3[%dma_wait3A_339, %multiple_of3A_336] : memref<2x320000xi32, #tpu.memory_space<hbm>> -> memref<2x128xi32, #tpu.memory_space<hbm>>
    tpu.wait_dma2 semaphore(%arg26 : memref<!tpu.dma_semaphore, #tpu.memory_space<semaphore_mem>>) src(%dma_wait3A_340 : memref<2x128xi32, #tpu.memory_space<hbm>>) dst(%arg8 : memref<2x128xi32, #tpu.memory_space<vmem>>)
    %dma_start3A_341 = arith.constant 0 : i32
    %dma_start3A_342 = arith.constant 0 : i32
    %dma_start3A_343 = tpu.memref_slice %arg8[%dma_start3A_341, %dma_start3A_342] : memref<2x128xi32, #tpu.memory_space<vmem>> -> memref<1x128xi32, #tpu.memory_space<vmem>>
    %dma_start3A_344 = tpu.memref_squeeze %dma_start3A_343 : memref<1x128xi32, #tpu.memory_space<vmem>> -> memref<128xi32, #tpu.memory_space<vmem>>
    %dma_start3A_345 = arith.constant 0 : i32
    %dma_start3A_346 = arith.constant 0 : i32
    %dma_start3A_347 = tpu.memref_slice %arg2[%dma_start3A_345, %dma_start3A_346] : memref<10000x128xf32, #tpu.memory_space<hbm>> -> memref<10000x128xf32, #tpu.memory_space<hbm>>
    tpu.enqueue_indirect_dma source(%dma_start3A_347 : memref<10000x128xf32, #tpu.memory_space<hbm>>) target(%arg12 : memref<128x128xf32, #tpu.memory_space<vmem>>) offsets(%dma_start3A_344 : memref<128xi32, #tpu.memory_space<vmem>>) semaphore(%arg20 : memref<!tpu.dma_semaphore, #tpu.memory_space<semaphore_mem>>)
    %dma_wait3A_348 = arith.constant 0 : i32
    %dma_wait3A_349 = arith.constant 0 : i32
    %dma_wait3A_350 = tpu.memref_slice %arg8[%dma_wait3A_348, %dma_wait3A_349] : memref<2x128xi32, #tpu.memory_space<vmem>> -> memref<1x128xi32, #tpu.memory_space<vmem>>
    %dma_wait3A_351 = tpu.memref_squeeze %dma_wait3A_350 : memref<1x128xi32, #tpu.memory_space<vmem>> -> memref<128xi32, #tpu.memory_space<vmem>>
    %dma_wait3A_352 = arith.constant 0 : i32
    %dma_wait3A_353 = arith.constant 0 : i32
    %dma_wait3A_354 = tpu.memref_slice %arg2[%dma_wait3A_352, %dma_wait3A_353] : memref<10000x128xf32, #tpu.memory_space<hbm>> -> memref<10000x128xf32, #tpu.memory_space<hbm>>
    tpu.wait_indirect_dma semaphore(%arg20 : memref<!tpu.dma_semaphore, #tpu.memory_space<semaphore_mem>>) src(%dma_wait3A_354 : memref<10000x128xf32, #tpu.memory_space<hbm>>) dst(%arg12 : memref<128x128xf32, #tpu.memory_space<vmem>>)
    %get3A_355 = arith.constant 1 : i32
    %get3A_356 = arith.index_cast %get3A_355 : i32 to index
    %get3A_357 = arith.constant 0 : index
    %get3A_358 = tpu.vector_load %arg8[%get3A_356, %get3A_357] {strides = array<i32>} : memref<2x128xi32, #tpu.memory_space<vmem>>, vector<1x16xi32>,
    %get3A_359 = vector.shape_cast %get3A_358 : vector<1x16xi32> to vector<16xi32>
    %swap3A_360 = arith.constant 0 : index
    %swap3A_361 = tpu.vector_load %arg10[%swap3A_360] {strides = array<i32>} : memref<128xi32, #tpu.memory_space<vmem>>, vector<16xi32>,
    %swap3A_362 = vector.shape_cast %swap3A_361 : vector<16xi32> to vector<16xi32>
    %swap3A_363 = vector.shape_cast %get3A_359 : vector<16xi32> to vector<16xi32>
    tpu.vector_store %arg10[%swap3A_360], %swap3A_363 {strides = array<i32>} : memref<128xi32, #tpu.memory_space<vmem>>, vector<16xi32>,
    %get3A_364 = arith.constant 1 : i32
    %get3A_365 = arith.index_cast %get3A_364 : i32 to index
    %get3A_366 = arith.constant 16 : index
    %get3A_367 = tpu.vector_load %arg8[%get3A_365, %get3A_366] {strides = array<i32>} : memref<2x128xi32, #tpu.memory_space<vmem>>, vector<1x16xi32>,
    %get3A_368 = vector.shape_cast %get3A_367 : vector<1x16xi32> to vector<16xi32>
    %swap3A_369 = arith.constant 16 : index
    %swap3A_370 = tpu.vector_load %arg10[%swap3A_369] {strides = array<i32>} : memref<128xi32, #tpu.memory_space<vmem>>, vector<16xi32>,
    %swap3A_371 = vector.shape_cast %swap3A_370 : vector<16xi32> to vector<16xi32>
    %swap3A_372 = vector.shape_cast %get3A_368 : vector<16xi32> to vector<16xi32>
    tpu.vector_store %arg10[%swap3A_369], %swap3A_372 {strides = array<i32>} : memref<128xi32, #tpu.memory_space<vmem>>, vector<16xi32>,
    %get3A_373 = arith.constant 1 : i32
    %get3A_374 = arith.index_cast %get3A_373 : i32 to index
    %get3A_375 = arith.constant 32 : index
    %get3A_376 = tpu.vector_load %arg8[%get3A_374, %get3A_375] {strides = array<i32>} : memref<2x128xi32, #tpu.memory_space<vmem>>, vector<1x16xi32>,
    %get3A_377 = vector.shape_cast %get3A_376 : vector<1x16xi32> to vector<16xi32>
    %swap3A_378 = arith.constant 32 : index
    %swap3A_379 = tpu.vector_load %arg10[%swap3A_378] {strides = array<i32>} : memref<128xi32, #tpu.memory_space<vmem>>, vector<16xi32>,
    %swap3A_380 = vector.shape_cast %swap3A_379 : vector<16xi32> to vector<16xi32>
    %swap3A_381 = vector.shape_cast %get3A_377 : vector<16xi32> to vector<16xi32>
    tpu.vector_store %arg10[%swap3A_378], %swap3A_381 {strides = array<i32>} : memref<128xi32, #tpu.memory_space<vmem>>, vector<16xi32>,
    %get3A_382 = arith.constant 1 : i32
    %get3A_383 = arith.index_cast %get3A_382 : i32 to index
    %get3A_384 = arith.constant 48 : index
    %get3A_385 = tpu.vector_load %arg8[%get3A_383, %get3A_384] {strides = array<i32>} : memref<2x128xi32, #tpu.memory_space<vmem>>, vector<1x16xi32>,
    %get3A_386 = vector.shape_cast %get3A_385 : vector<1x16xi32> to vector<16xi32>
    %swap3A_387 = arith.constant 48 : index
    %swap3A_388 = tpu.vector_load %arg10[%swap3A_387] {strides = array<i32>} : memref<128xi32, #tpu.memory_space<vmem>>, vector<16xi32>,
    %swap3A_389 = vector.shape_cast %swap3A_388 : vector<16xi32> to vector<16xi32>
    %swap3A_390 = vector.shape_cast %get3A_386 : vector<16xi32> to vector<16xi32>
    tpu.vector_store %arg10[%swap3A_387], %swap3A_390 {strides = array<i32>} : memref<128xi32, #tpu.memory_space<vmem>>, vector<16xi32>,
    %get3A_391 = arith.constant 1 : i32
    %get3A_392 = arith.index_cast %get3A_391 : i32 to index
    %get3A_393 = arith.constant 64 : index
    %get3A_394 = tpu.vector_load %arg8[%get3A_392, %get3A_393] {strides = array<i32>} : memref<2x128xi32, #tpu.memory_space<vmem>>, vector<1x16xi32>,
    %get3A_395 = vector.shape_cast %get3A_394 : vector<1x16xi32> to vector<16xi32>
    %swap3A_396 = arith.constant 64 : index
    %swap3A_397 = tpu.vector_load %arg10[%swap3A_396] {strides = array<i32>} : memref<128xi32, #tpu.memory_space<vmem>>, vector<16xi32>,
    %swap3A_398 = vector.shape_cast %swap3A_397 : vector<16xi32> to vector<16xi32>
    %swap3A_399 = vector.shape_cast %get3A_395 : vector<16xi32> to vector<16xi32>
    tpu.vector_store %arg10[%swap3A_396], %swap3A_399 {strides = array<i32>} : memref<128xi32, #tpu.memory_space<vmem>>, vector<16xi32>,
    %get3A_400 = arith.constant 1 : i32
    %get3A_401 = arith.index_cast %get3A_400 : i32 to index
    %get3A_402 = arith.constant 80 : index
    %get3A_403 = tpu.vector_load %arg8[%get3A_401, %get3A_402] {strides = array<i32>} : memref<2x128xi32, #tpu.memory_space<vmem>>, vector<1x16xi32>,
    %get3A_404 = vector.shape_cast %get3A_403 : vector<1x16xi32> to vector<16xi32>
    %swap3A_405 = arith.constant 80 : index
    %swap3A_406 = tpu.vector_load %arg10[%swap3A_405] {strides = array<i32>} : memref<128xi32, #tpu.memory_space<vmem>>, vector<16xi32>,
    %swap3A_407 = vector.shape_cast %swap3A_406 : vector<16xi32> to vector<16xi32>
    %swap3A_408 = vector.shape_cast %get3A_404 : vector<16xi32> to vector<16xi32>
    tpu.vector_store %arg10[%swap3A_405], %swap3A_408 {strides = array<i32>} : memref<128xi32, #tpu.memory_space<vmem>>, vector<16xi32>,
    %get3A_409 = arith.constant 1 : i32
    %get3A_410 = arith.index_cast %get3A_409 : i32 to index
    %get3A_411 = arith.constant 96 : index
    %get3A_412 = tpu.vector_load %arg8[%get3A_410, %get3A_411] {strides = array<i32>} : memref<2x128xi32, #tpu.memory_space<vmem>>, vector<1x16xi32>,
    %get3A_413 = vector.shape_cast %get3A_412 : vector<1x16xi32> to vector<16xi32>
    %swap3A_414 = arith.constant 96 : index
    %swap3A_415 = tpu.vector_load %arg10[%swap3A_414] {strides = array<i32>} : memref<128xi32, #tpu.memory_space<vmem>>, vector<16xi32>,
    %swap3A_416 = vector.shape_cast %swap3A_415 : vector<16xi32> to vector<16xi32>
    %swap3A_417 = vector.shape_cast %get3A_413 : vector<16xi32> to vector<16xi32>
    tpu.vector_store %arg10[%swap3A_414], %swap3A_417 {strides = array<i32>} : memref<128xi32, #tpu.memory_space<vmem>>, vector<16xi32>,
    %get3A_418 = arith.constant 1 : i32
    %get3A_419 = arith.index_cast %get3A_418 : i32 to index
    %get3A_420 = arith.constant 112 : index
    %get3A_421 = tpu.vector_load %arg8[%get3A_419, %get3A_420] {strides = array<i32>} : memref<2x128xi32, #tpu.memory_space<vmem>>, vector<1x16xi32>,
    %get3A_422 = vector.shape_cast %get3A_421 : vector<1x16xi32> to vector<16xi32>
    %swap3A_423 = arith.constant 112 : index
    %swap3A_424 = tpu.vector_load %arg10[%swap3A_423] {strides = array<i32>} : memref<128xi32, #tpu.memory_space<vmem>>, vector<16xi32>,
    %swap3A_425 = vector.shape_cast %swap3A_424 : vector<16xi32> to vector<16xi32>
    %swap3A_426 = vector.shape_cast %get3A_422 : vector<16xi32> to vector<16xi32>
    tpu.vector_store %arg10[%swap3A_423], %swap3A_426 {strides = array<i32>} : memref<128xi32, #tpu.memory_space<vmem>>, vector<16xi32>,
    %dma_start3A_427 = arith.constant 0 : i32
    %dma_start3A_428 = arith.constant 0 : i32
    %dma_start3A_429 = tpu.memref_slice %arg6[%dma_start3A_427, %dma_start3A_428] : memref<10240x128xf32, #tpu.memory_space<vmem_shared>> -> memref<10240x128xf32, #tpu.memory_space<vmem_shared>>
    tpu.enqueue_indirect_dma source(%arg12 : memref<128x128xf32, #tpu.memory_space<vmem>>) target(%dma_start3A_429 : memref<10240x128xf32, #tpu.memory_space<vmem_shared>>) offsets(%arg10 : memref<128xi32, #tpu.memory_space<vmem>>) semaphore(%arg22 : memref<!tpu.dma_semaphore, #tpu.memory_space<semaphore_mem>>) {add = true}
    %dma_start3A_430 = arith.constant 0 : i32
    %dma_start3A_431 = tpu.memref_slice %arg7[%dma_start3A_430] : memref<10240xf32, #tpu.memory_space<vmem_shared>> -> memref<10240xf32, #tpu.memory_space<vmem_shared>>
    tpu.enqueue_indirect_dma source(%arg18 : memref<128xf32, #tpu.memory_space<vmem>>) target(%dma_start3A_431 : memref<10240xf32, #tpu.memory_space<vmem_shared>>) offsets(%arg10 : memref<128xi32, #tpu.memory_space<vmem>>) semaphore(%arg24 : memref<!tpu.dma_semaphore, #tpu.memory_space<semaphore_mem>>) {add = true}
    %dma_wait3A_432 = arith.constant 0 : i32
    %dma_wait3A_433 = arith.constant 0 : i32
    %dma_wait3A_434 = tpu.memref_slice %arg6[%dma_wait3A_432, %dma_wait3A_433] : memref<10240x128xf32, #tpu.memory_space<vmem_shared>> -> memref<10240x128xf32, #tpu.memory_space<vmem_shared>>
    tpu.wait_indirect_dma semaphore(%arg23 : memref<!tpu.dma_semaphore, #tpu.memory_space<semaphore_mem>>) src(%arg13 : memref<128x128xf32, #tpu.memory_space<vmem>>) dst(%dma_wait3A_434 : memref<10240x128xf32, #tpu.memory_space<vmem_shared>>)
    %dma_wait3A_435 = arith.constant 0 : i32
    %dma_wait3A_436 = tpu.memref_slice %arg7[%dma_wait3A_435] : memref<10240xf32, #tpu.memory_space<vmem_shared>> -> memref<10240xf32, #tpu.memory_space<vmem_shared>>
    tpu.wait_indirect_dma semaphore(%arg25 : memref<!tpu.dma_semaphore, #tpu.memory_space<semaphore_mem>>) src(%arg18 : memref<128xf32, #tpu.memory_space<vmem>>) dst(%dma_wait3A_436 : memref<10240xf32, #tpu.memory_space<vmem_shared>>)
    %mul3A_437 = arith.constant 78 : i32
    %mul3A_438 = arith.muli %add3A, %mul3A_437 : i32
    %add3A_439 = arith.constant 77 : i32
    %add3A_440 = arith.addi %mul3A_438, %add3A_439 : i32
    %mul3A_441 = arith.constant 128 : i32
    %mul3A_442 = arith.muli %add3A_440, %mul3A_441 : i32
    %multiple_of3A_443 = tpu.assume_multiple %mul3A_442, 128 : i32
    %dma_wait3A_444 = arith.constant 0 : i32
    %dma_wait3A_445 = tpu.memref_slice %arg3[%dma_wait3A_444, %multiple_of3A_443] : memref<2x320000xi32, #tpu.memory_space<hbm>> -> memref<2x128xi32, #tpu.memory_space<hbm>>
    %dma_wait3A_446 = arith.constant 0 : i32
    %dma_wait3A_447 = tpu.memref_slice %arg3[%dma_wait3A_446, %multiple_of3A_443] : memref<2x320000xi32, #tpu.memory_space<hbm>> -> memref<2x128xi32, #tpu.memory_space<hbm>>
    tpu.wait_dma2 semaphore(%arg27 : memref<!tpu.dma_semaphore, #tpu.memory_space<semaphore_mem>>) src(%dma_wait3A_447 : memref<2x128xi32, #tpu.memory_space<hbm>>) dst(%arg9 : memref<2x128xi32, #tpu.memory_space<vmem>>)
    %dma_start3A_448 = arith.constant 0 : i32
    %dma_start3A_449 = arith.constant 0 : i32
    %dma_start3A_450 = tpu.memref_slice %arg9[%dma_start3A_448, %dma_start3A_449] : memref<2x128xi32, #tpu.memory_space<vmem>> -> memref<1x128xi32, #tpu.memory_space<vmem>>
    %dma_start3A_451 = tpu.memref_squeeze %dma_start3A_450 : memref<1x128xi32, #tpu.memory_space<vmem>> -> memref<128xi32, #tpu.memory_space<vmem>>
    %dma_start3A_452 = arith.constant 0 : i32
    %dma_start3A_453 = arith.constant 0 : i32
    %dma_start3A_454 = tpu.memref_slice %arg2[%dma_start3A_452, %dma_start3A_453] : memref<10000x128xf32, #tpu.memory_space<hbm>> -> memref<10000x128xf32, #tpu.memory_space<hbm>>
    tpu.enqueue_indirect_dma source(%dma_start3A_454 : memref<10000x128xf32, #tpu.memory_space<hbm>>) target(%arg13 : memref<128x128xf32, #tpu.memory_space<vmem>>) offsets(%dma_start3A_451 : memref<128xi32, #tpu.memory_space<vmem>>) semaphore(%arg21 : memref<!tpu.dma_semaphore, #tpu.memory_space<semaphore_mem>>)
    %dma_wait3A_455 = arith.constant 0 : i32
    %dma_wait3A_456 = arith.constant 0 : i32
    %dma_wait3A_457 = tpu.memref_slice %arg9[%dma_wait3A_455, %dma_wait3A_456] : memref<2x128xi32, #tpu.memory_space<vmem>> -> memref<1x128xi32, #tpu.memory_space<vmem>>
    %dma_wait3A_458 = tpu.memref_squeeze %dma_wait3A_457 : memref<1x128xi32, #tpu.memory_space<vmem>> -> memref<128xi32, #tpu.memory_space<vmem>>
    %dma_wait3A_459 = arith.constant 0 : i32
    %dma_wait3A_460 = arith.constant 0 : i32
    %dma_wait3A_461 = tpu.memref_slice %arg2[%dma_wait3A_459, %dma_wait3A_460] : memref<10000x128xf32, #tpu.memory_space<hbm>> -> memref<10000x128xf32, #tpu.memory_space<hbm>>
    tpu.wait_indirect_dma semaphore(%arg21 : memref<!tpu.dma_semaphore, #tpu.memory_space<semaphore_mem>>) src(%dma_wait3A_461 : memref<10000x128xf32, #tpu.memory_space<hbm>>) dst(%arg13 : memref<128x128xf32, #tpu.memory_space<vmem>>)
    %get3A_462 = arith.constant 1 : i32
    %get3A_463 = arith.index_cast %get3A_462 : i32 to index
    %get3A_464 = arith.constant 0 : index
    %get3A_465 = tpu.vector_load %arg9[%get3A_463, %get3A_464] {strides = array<i32>} : memref<2x128xi32, #tpu.memory_space<vmem>>, vector<1x16xi32>,
    %get3A_466 = vector.shape_cast %get3A_465 : vector<1x16xi32> to vector<16xi32>
    %swap3A_467 = arith.constant 0 : index
    %swap3A_468 = tpu.vector_load %arg11[%swap3A_467] {strides = array<i32>} : memref<128xi32, #tpu.memory_space<vmem>>, vector<16xi32>,
    %swap3A_469 = vector.shape_cast %swap3A_468 : vector<16xi32> to vector<16xi32>
    %swap3A_470 = vector.shape_cast %get3A_466 : vector<16xi32> to vector<16xi32>
    tpu.vector_store %arg11[%swap3A_467], %swap3A_470 {strides = array<i32>} : memref<128xi32, #tpu.memory_space<vmem>>, vector<16xi32>,
    %get3A_471 = arith.constant 1 : i32
    %get3A_472 = arith.index_cast %get3A_471 : i32 to index
    %get3A_473 = arith.constant 16 : index
    %get3A_474 = tpu.vector_load %arg9[%get3A_472, %get3A_473] {strides = array<i32>} : memref<2x128xi32, #tpu.memory_space<vmem>>, vector<1x16xi32>,
    %get3A_475 = vector.shape_cast %get3A_474 : vector<1x16xi32> to vector<16xi32>
    %swap3A_476 = arith.constant 16 : index
    %swap3A_477 = tpu.vector_load %arg11[%swap3A_476] {strides = array<i32>} : memref<128xi32, #tpu.memory_space<vmem>>, vector<16xi32>,
    %swap3A_478 = vector.shape_cast %swap3A_477 : vector<16xi32> to vector<16xi32>
    %swap3A_479 = vector.shape_cast %get3A_475 : vector<16xi32> to vector<16xi32>
    tpu.vector_store %arg11[%swap3A_476], %swap3A_479 {strides = array<i32>} : memref<128xi32, #tpu.memory_space<vmem>>, vector<16xi32>,
    %get3A_480 = arith.constant 1 : i32
    %get3A_481 = arith.index_cast %get3A_480 : i32 to index
    %get3A_482 = arith.constant 32 : index
    %get3A_483 = tpu.vector_load %arg9[%get3A_481, %get3A_482] {strides = array<i32>} : memref<2x128xi32, #tpu.memory_space<vmem>>, vector<1x16xi32>,
    %get3A_484 = vector.shape_cast %get3A_483 : vector<1x16xi32> to vector<16xi32>
    %swap3A_485 = arith.constant 32 : index
    %swap3A_486 = tpu.vector_load %arg11[%swap3A_485] {strides = array<i32>} : memref<128xi32, #tpu.memory_space<vmem>>, vector<16xi32>,
    %swap3A_487 = vector.shape_cast %swap3A_486 : vector<16xi32> to vector<16xi32>
    %swap3A_488 = vector.shape_cast %get3A_484 : vector<16xi32> to vector<16xi32>
    tpu.vector_store %arg11[%swap3A_485], %swap3A_488 {strides = array<i32>} : memref<128xi32, #tpu.memory_space<vmem>>, vector<16xi32>,
    %get3A_489 = arith.constant 1 : i32
    %get3A_490 = arith.index_cast %get3A_489 : i32 to index
    %get3A_491 = arith.constant 48 : index
    %get3A_492 = tpu.vector_load %arg9[%get3A_490, %get3A_491] {strides = array<i32>} : memref<2x128xi32, #tpu.memory_space<vmem>>, vector<1x16xi32>,
    %get3A_493 = vector.shape_cast %get3A_492 : vector<1x16xi32> to vector<16xi32>
    %swap3A_494 = arith.constant 48 : index
    %swap3A_495 = tpu.vector_load %arg11[%swap3A_494] {strides = array<i32>} : memref<128xi32, #tpu.memory_space<vmem>>, vector<16xi32>,
    %swap3A_496 = vector.shape_cast %swap3A_495 : vector<16xi32> to vector<16xi32>
    %swap3A_497 = vector.shape_cast %get3A_493 : vector<16xi32> to vector<16xi32>
    tpu.vector_store %arg11[%swap3A_494], %swap3A_497 {strides = array<i32>} : memref<128xi32, #tpu.memory_space<vmem>>, vector<16xi32>,
    %get3A_498 = arith.constant 1 : i32
    %get3A_499 = arith.index_cast %get3A_498 : i32 to index
    %get3A_500 = arith.constant 64 : index
    %get3A_501 = tpu.vector_load %arg9[%get3A_499, %get3A_500] {strides = array<i32>} : memref<2x128xi32, #tpu.memory_space<vmem>>, vector<1x16xi32>,
    %get3A_502 = vector.shape_cast %get3A_501 : vector<1x16xi32> to vector<16xi32>
    %swap3A_503 = arith.constant 64 : index
    %swap3A_504 = tpu.vector_load %arg11[%swap3A_503] {strides = array<i32>} : memref<128xi32, #tpu.memory_space<vmem>>, vector<16xi32>,
    %swap3A_505 = vector.shape_cast %swap3A_504 : vector<16xi32> to vector<16xi32>
    %swap3A_506 = vector.shape_cast %get3A_502 : vector<16xi32> to vector<16xi32>
    tpu.vector_store %arg11[%swap3A_503], %swap3A_506 {strides = array<i32>} : memref<128xi32, #tpu.memory_space<vmem>>, vector<16xi32>,
    %get3A_507 = arith.constant 1 : i32
    %get3A_508 = arith.index_cast %get3A_507 : i32 to index
    %get3A_509 = arith.constant 80 : index
    %get3A_510 = tpu.vector_load %arg9[%get3A_508, %get3A_509] {strides = array<i32>} : memref<2x128xi32, #tpu.memory_space<vmem>>, vector<1x16xi32>,
    %get3A_511 = vector.shape_cast %get3A_510 : vector<1x16xi32> to vector<16xi32>
    %swap3A_512 = arith.constant 80 : index
    %swap3A_513 = tpu.vector_load %arg11[%swap3A_512] {strides = array<i32>} : memref<128xi32, #tpu.memory_space<vmem>>, vector<16xi32>,
    %swap3A_514 = vector.shape_cast %swap3A_513 : vector<16xi32> to vector<16xi32>
    %swap3A_515 = vector.shape_cast %get3A_511 : vector<16xi32> to vector<16xi32>
    tpu.vector_store %arg11[%swap3A_512], %swap3A_515 {strides = array<i32>} : memref<128xi32, #tpu.memory_space<vmem>>, vector<16xi32>,
    %get3A_516 = arith.constant 1 : i32
    %get3A_517 = arith.index_cast %get3A_516 : i32 to index
    %get3A_518 = arith.constant 96 : index
    %get3A_519 = tpu.vector_load %arg9[%get3A_517, %get3A_518] {strides = array<i32>} : memref<2x128xi32, #tpu.memory_space<vmem>>, vector<1x16xi32>,
    %get3A_520 = vector.shape_cast %get3A_519 : vector<1x16xi32> to vector<16xi32>
    %swap3A_521 = arith.constant 96 : index
    %swap3A_522 = tpu.vector_load %arg11[%swap3A_521] {strides = array<i32>} : memref<128xi32, #tpu.memory_space<vmem>>, vector<16xi32>,
    %swap3A_523 = vector.shape_cast %swap3A_522 : vector<16xi32> to vector<16xi32>
    %swap3A_524 = vector.shape_cast %get3A_520 : vector<16xi32> to vector<16xi32>
    tpu.vector_store %arg11[%swap3A_521], %swap3A_524 {strides = array<i32>} : memref<128xi32, #tpu.memory_space<vmem>>, vector<16xi32>,
    %get3A_525 = arith.constant 1 : i32
    %get3A_526 = arith.index_cast %get3A_525 : i32 to index
    %get3A_527 = arith.constant 112 : index
    %get3A_528 = tpu.vector_load %arg9[%get3A_526, %get3A_527] {strides = array<i32>} : memref<2x128xi32, #tpu.memory_space<vmem>>, vector<1x16xi32>,
    %get3A_529 = vector.shape_cast %get3A_528 : vector<1x16xi32> to vector<16xi32>
    %swap3A_530 = arith.constant 112 : index
    %swap3A_531 = tpu.vector_load %arg11[%swap3A_530] {strides = array<i32>} : memref<128xi32, #tpu.memory_space<vmem>>, vector<16xi32>,
    %swap3A_532 = vector.shape_cast %swap3A_531 : vector<16xi32> to vector<16xi32>
    %swap3A_533 = vector.shape_cast %get3A_529 : vector<16xi32> to vector<16xi32>
    tpu.vector_store %arg11[%swap3A_530], %swap3A_533 {strides = array<i32>} : memref<128xi32, #tpu.memory_space<vmem>>, vector<16xi32>,
    %dma_start3A_534 = arith.constant 0 : i32
    %dma_start3A_535 = arith.constant 0 : i32
    %dma_start3A_536 = tpu.memref_slice %arg6[%dma_start3A_534, %dma_start3A_535] : memref<10240x128xf32, #tpu.memory_space<vmem_shared>> -> memref<10240x128xf32, #tpu.memory_space<vmem_shared>>
    tpu.enqueue_indirect_dma source(%arg13 : memref<128x128xf32, #tpu.memory_space<vmem>>) target(%dma_start3A_536 : memref<10240x128xf32, #tpu.memory_space<vmem_shared>>) offsets(%arg11 : memref<128xi32, #tpu.memory_space<vmem>>) semaphore(%arg23 : memref<!tpu.dma_semaphore, #tpu.memory_space<semaphore_mem>>) {add = true}
    %dma_start3A_537 = arith.constant 0 : i32
    %dma_start3A_538 = tpu.memref_slice %arg7[%dma_start3A_537] : memref<10240xf32, #tpu.memory_space<vmem_shared>> -> memref<10240xf32, #tpu.memory_space<vmem_shared>>
    tpu.enqueue_indirect_dma source(%arg18 : memref<128xf32, #tpu.memory_space<vmem>>) target(%dma_start3A_538 : memref<10240xf32, #tpu.memory_space<vmem_shared>>) offsets(%arg11 : memref<128xi32, #tpu.memory_space<vmem>>) semaphore(%arg25 : memref<!tpu.dma_semaphore, #tpu.memory_space<semaphore_mem>>) {add = true}
    %dma_wait3A_539 = arith.constant 0 : i32
    %dma_wait3A_540 = arith.constant 0 : i32
    %dma_wait3A_541 = tpu.memref_slice %arg6[%dma_wait3A_539, %dma_wait3A_540] : memref<10240x128xf32, #tpu.memory_space<vmem_shared>> -> memref<10240x128xf32, #tpu.memory_space<vmem_shared>>
    tpu.wait_indirect_dma semaphore(%arg22 : memref<!tpu.dma_semaphore, #tpu.memory_space<semaphore_mem>>) src(%arg12 : memref<128x128xf32, #tpu.memory_space<vmem>>) dst(%dma_wait3A_541 : memref<10240x128xf32, #tpu.memory_space<vmem_shared>>)
    %dma_wait3A_542 = arith.constant 0 : i32
    %dma_wait3A_543 = tpu.memref_slice %arg7[%dma_wait3A_542] : memref<10240xf32, #tpu.memory_space<vmem_shared>> -> memref<10240xf32, #tpu.memory_space<vmem_shared>>
    tpu.wait_indirect_dma semaphore(%arg24 : memref<!tpu.dma_semaphore, #tpu.memory_space<semaphore_mem>>) src(%arg18 : memref<128xf32, #tpu.memory_space<vmem>>) dst(%dma_wait3A_543 : memref<10240xf32, #tpu.memory_space<vmem_shared>>)
    %dma_wait3A_544 = arith.constant 0 : i32
    %dma_wait3A_545 = arith.constant 0 : i32
    %dma_wait3A_546 = tpu.memref_slice %arg6[%dma_wait3A_544, %dma_wait3A_545] : memref<10240x128xf32, #tpu.memory_space<vmem_shared>> -> memref<10240x128xf32, #tpu.memory_space<vmem_shared>>
    tpu.wait_indirect_dma semaphore(%arg23 : memref<!tpu.dma_semaphore, #tpu.memory_space<semaphore_mem>>) src(%arg13 : memref<128x128xf32, #tpu.memory_space<vmem>>) dst(%dma_wait3A_546 : memref<10240x128xf32, #tpu.memory_space<vmem_shared>>)
    %dma_wait3A_547 = arith.constant 0 : i32
    %dma_wait3A_548 = tpu.memref_slice %arg7[%dma_wait3A_547] : memref<10240xf32, #tpu.memory_space<vmem_shared>> -> memref<10240xf32, #tpu.memory_space<vmem_shared>>
    tpu.wait_indirect_dma semaphore(%arg25 : memref<!tpu.dma_semaphore, #tpu.memory_space<semaphore_mem>>) src(%arg18 : memref<128xf32, #tpu.memory_space<vmem>>) dst(%dma_wait3A_548 : memref<10240xf32, #tpu.memory_space<vmem_shared>>)
    "tpu.region"() ({
      %run_scoped3A = tpu.sem_alloc : memref<!tpu.dma_semaphore, #tpu.memory_space<semaphore_mem>>
      %dma_start3A_572 = arith.constant 0 : i32
      %dma_start3A_573 = arith.constant 319488 : i32
      %dma_start3A_574 = tpu.memref_slice %arg3[%dma_start3A_572, %dma_start3A_573] : memref<2x320000xi32, #tpu.memory_space<hbm>> -> memref<2x512xi32, #tpu.memory_space<hbm>>
      %dma_start3A_575 = arith.constant 0 : i32
      %dma_start3A_576 = arith.constant 319488 : i32
      %dma_start3A_577 = tpu.memref_slice %arg3[%dma_start3A_575, %dma_start3A_576] : memref<2x320000xi32, #tpu.memory_space<hbm>> -> memref<2x512xi32, #tpu.memory_space<hbm>>
      tpu.enqueue_dma source(%dma_start3A_577 : memref<2x512xi32, #tpu.memory_space<hbm>>) target(%arg14 : memref<2x512xi32, #tpu.memory_space<vmem>>) target_semaphore(%run_scoped3A : memref<!tpu.dma_semaphore, #tpu.memory_space<semaphore_mem>>)
      %dma_wait3A_578 = arith.constant 0 : i32
      %dma_wait3A_579 = arith.constant 319488 : i32
      %dma_wait3A_580 = tpu.memref_slice %arg3[%dma_wait3A_578, %dma_wait3A_579] : memref<2x320000xi32, #tpu.memory_space<hbm>> -> memref<2x512xi32, #tpu.memory_space<hbm>>
      %dma_wait3A_581 = arith.constant 0 : i32
      %dma_wait3A_582 = arith.constant 319488 : i32
      %dma_wait3A_583 = tpu.memref_slice %arg3[%dma_wait3A_581, %dma_wait3A_582] : memref<2x320000xi32, #tpu.memory_space<hbm>> -> memref<2x512xi32, #tpu.memory_space<hbm>>
      tpu.wait_dma2 semaphore(%run_scoped3A : memref<!tpu.dma_semaphore, #tpu.memory_space<semaphore_mem>>) src(%dma_wait3A_583 : memref<2x512xi32, #tpu.memory_space<hbm>>) dst(%arg14 : memref<2x512xi32, #tpu.memory_space<vmem>>)
      tpu.yield
    }) : () -> ()
    %mul3A_549 = arith.constant 16 : i32
    %mul3A_550 = arith.muli %add3A, %mul3A_549 : i32
    %get3A_551 = arith.constant 0 : i32
    %get3A_552 = arith.index_cast %get3A_551 : i32 to index
    %get3A_553 = arith.index_cast %mul3A_550 : i32 to index
    %get3A_554 = tpu.vector_load %arg14[%get3A_552, %get3A_553] {strides = array<i32>} : memref<2x512xi32, #tpu.memory_space<vmem>>, vector<1x16xi32>,
    %get3A_555 = vector.shape_cast %get3A_554 : vector<1x16xi32> to vector<16xi32>
    %swap3A_556 = arith.constant 0 : index
    %swap3A_557 = tpu.vector_load %arg15[%swap3A_556] {strides = array<i32>} : memref<16xi32, #tpu.memory_space<vmem>>, vector<16xi32>,
    %swap3A_558 = vector.shape_cast %swap3A_557 : vector<16xi32> to vector<16xi32>
    %swap3A_559 = vector.shape_cast %get3A_555 : vector<16xi32> to vector<16xi32>
    tpu.vector_store %arg15[%swap3A_556], %swap3A_559 {strides = array<i32>} : memref<16xi32, #tpu.memory_space<vmem>>, vector<16xi32>,
    %mul3A_560 = arith.constant 16 : i32
    %mul3A_561 = arith.muli %add3A, %mul3A_560 : i32
    %get3A_562 = arith.constant 1 : i32
    %get3A_563 = arith.index_cast %get3A_562 : i32 to index
    %get3A_564 = arith.index_cast %mul3A_561 : i32 to index
    %get3A_565 = tpu.vector_load %arg14[%get3A_563, %get3A_564] {strides = array<i32>} : memref<2x512xi32, #tpu.memory_space<vmem>>, vector<1x16xi32>,
    %get3A_566 = vector.shape_cast %get3A_565 : vector<1x16xi32> to vector<16xi32>
    %swap3A_567 = arith.constant 0 : index
    %swap3A_568 = tpu.vector_load %arg16[%swap3A_567] {strides = array<i32>} : memref<16xi32, #tpu.memory_space<vmem>>, vector<16xi32>,
    %swap3A_569 = vector.shape_cast %swap3A_568 : vector<16xi32> to vector<16xi32>
    %swap3A_570 = vector.shape_cast %get3A_566 : vector<16xi32> to vector<16xi32>
    tpu.vector_store %arg16[%swap3A_567], %swap3A_570 {strides = array<i32>} : memref<16xi32, #tpu.memory_space<vmem>>, vector<16xi32>,
    "tpu.region"() ({
      %run_scoped3A = tpu.sem_alloc : memref<!tpu.dma_semaphore, #tpu.memory_space<semaphore_mem>>
      %dma_start3A_572 = arith.constant 0 : i32
      %dma_start3A_573 = arith.constant 0 : i32
      %dma_start3A_574 = tpu.memref_slice %arg2[%dma_start3A_572, %dma_start3A_573] : memref<10000x128xf32, #tpu.memory_space<hbm>> -> memref<10000x128xf32, #tpu.memory_space<hbm>>
      tpu.enqueue_indirect_dma source(%dma_start3A_574 : memref<10000x128xf32, #tpu.memory_space<hbm>>) target(%arg17 : memref<16x128xf32, #tpu.memory_space<vmem>>) offsets(%arg15 : memref<16xi32, #tpu.memory_space<vmem>>) semaphore(%run_scoped3A : memref<!tpu.dma_semaphore, #tpu.memory_space<semaphore_mem>>)
      %dma_wait3A_575 = arith.constant 0 : i32
      %dma_wait3A_576 = arith.constant 0 : i32
      %dma_wait3A_577 = tpu.memref_slice %arg2[%dma_wait3A_575, %dma_wait3A_576] : memref<10000x128xf32, #tpu.memory_space<hbm>> -> memref<10000x128xf32, #tpu.memory_space<hbm>>
      tpu.wait_indirect_dma semaphore(%run_scoped3A : memref<!tpu.dma_semaphore, #tpu.memory_space<semaphore_mem>>) src(%dma_wait3A_577 : memref<10000x128xf32, #tpu.memory_space<hbm>>) dst(%arg17 : memref<16x128xf32, #tpu.memory_space<vmem>>)
      tpu.yield
    }) : () -> ()
    "tpu.region"() ({
      %run_scoped3A = tpu.sem_alloc : memref<!tpu.dma_semaphore, #tpu.memory_space<semaphore_mem>>
      %dma_start3A_572 = arith.constant 0 : i32
      %dma_start3A_573 = arith.constant 0 : i32
      %dma_start3A_574 = tpu.memref_slice %arg6[%dma_start3A_572, %dma_start3A_573] : memref<10240x128xf32, #tpu.memory_space<vmem_shared>> -> memref<10240x128xf32, #tpu.memory_space<vmem_shared>>
      tpu.enqueue_indirect_dma source(%arg17 : memref<16x128xf32, #tpu.memory_space<vmem>>) target(%dma_start3A_574 : memref<10240x128xf32, #tpu.memory_space<vmem_shared>>) offsets(%arg16 : memref<16xi32, #tpu.memory_space<vmem>>) semaphore(%run_scoped3A : memref<!tpu.dma_semaphore, #tpu.memory_space<semaphore_mem>>) {add = true}
      %dma_wait3A_575 = arith.constant 0 : i32
      %dma_wait3A_576 = arith.constant 0 : i32
      %dma_wait3A_577 = tpu.memref_slice %arg6[%dma_wait3A_575, %dma_wait3A_576] : memref<10240x128xf32, #tpu.memory_space<vmem_shared>> -> memref<10240x128xf32, #tpu.memory_space<vmem_shared>>
      tpu.wait_indirect_dma semaphore(%run_scoped3A : memref<!tpu.dma_semaphore, #tpu.memory_space<semaphore_mem>>) src(%arg17 : memref<16x128xf32, #tpu.memory_space<vmem>>) dst(%dma_wait3A_577 : memref<10240x128xf32, #tpu.memory_space<vmem_shared>>)
      tpu.yield
    }) : () -> ()
    "tpu.region"() ({
      %run_scoped3A = tpu.sem_alloc : memref<!tpu.dma_semaphore, #tpu.memory_space<semaphore_mem>>
      %dma_start3A_572 = arith.constant 0 : i32
      %dma_start3A_573 = tpu.memref_slice %arg18[%dma_start3A_572] : memref<128xf32, #tpu.memory_space<vmem>> -> memref<16xf32, #tpu.memory_space<vmem>>
      %dma_start3A_574 = arith.constant 0 : i32
      %dma_start3A_575 = tpu.memref_slice %arg7[%dma_start3A_574] : memref<10240xf32, #tpu.memory_space<vmem_shared>> -> memref<10240xf32, #tpu.memory_space<vmem_shared>>
      tpu.enqueue_indirect_dma source(%dma_start3A_573 : memref<16xf32, #tpu.memory_space<vmem>>) target(%dma_start3A_575 : memref<10240xf32, #tpu.memory_space<vmem_shared>>) offsets(%arg16 : memref<16xi32, #tpu.memory_space<vmem>>) semaphore(%run_scoped3A : memref<!tpu.dma_semaphore, #tpu.memory_space<semaphore_mem>>) {add = true}
      %dma_wait3A_576 = arith.constant 0 : i32
      %dma_wait3A_577 = tpu.memref_slice %arg18[%dma_wait3A_576] : memref<128xf32, #tpu.memory_space<vmem>> -> memref<16xf32, #tpu.memory_space<vmem>>
      %dma_wait3A_578 = arith.constant 0 : i32
      %dma_wait3A_579 = tpu.memref_slice %arg7[%dma_wait3A_578] : memref<10240xf32, #tpu.memory_space<vmem_shared>> -> memref<10240xf32, #tpu.memory_space<vmem_shared>>
      tpu.wait_indirect_dma semaphore(%run_scoped3A : memref<!tpu.dma_semaphore, #tpu.memory_space<semaphore_mem>>) src(%dma_wait3A_577 : memref<16xf32, #tpu.memory_space<vmem>>) dst(%dma_wait3A_579 : memref<10240xf32, #tpu.memory_space<vmem_shared>>)
      tpu.yield
    }) : () -> ()
    %barrier3A_571 = arith.constant 0 : index
    tpu.barrier barrier_id(%barrier3A_571)
    "tpu.region"() ({
      %run_scoped3A = tpu.sem_alloc : memref<!tpu.dma_semaphore, #tpu.memory_space<semaphore_mem>>
      %dma_start3A_572 = arith.constant 0 : i32
      %dma_start3A_573 = tpu.memref_slice %arg4[%arg0, %mul3A_63, %dma_start3A_572] : memref<2x10240x128xf32, #tpu.memory_space<hbm>> -> memref<1x640x128xf32, #tpu.memory_space<hbm>>
      %dma_start3A_574 = tpu.memref_squeeze %dma_start3A_573 : memref<1x640x128xf32, #tpu.memory_space<hbm>> -> memref<640x128xf32, #tpu.memory_space<hbm>>
      %dma_start3A_575 = arith.constant 0 : i32
      %dma_start3A_576 = tpu.memref_slice %arg6[%mul3A_63, %dma_start3A_575] : memref<10240x128xf32, #tpu.memory_space<vmem_shared>> -> memref<640x128xf32, #tpu.memory_space<vmem_shared>>
      tpu.enqueue_dma source(%dma_start3A_576 : memref<640x128xf32, #tpu.memory_space<vmem_shared>>) target(%dma_start3A_574 : memref<640x128xf32, #tpu.memory_space<hbm>>) target_semaphore(%run_scoped3A : memref<!tpu.dma_semaphore, #tpu.memory_space<semaphore_mem>>)
      %dma_wait3A_577 = arith.constant 0 : i32
      %dma_wait3A_578 = tpu.memref_slice %arg4[%arg0, %mul3A_63, %dma_wait3A_577] : memref<2x10240x128xf32, #tpu.memory_space<hbm>> -> memref<1x640x128xf32, #tpu.memory_space<hbm>>
      %dma_wait3A_579 = tpu.memref_squeeze %dma_wait3A_578 : memref<1x640x128xf32, #tpu.memory_space<hbm>> -> memref<640x128xf32, #tpu.memory_space<hbm>>
      %dma_wait3A_580 = arith.constant 0 : i32
      %dma_wait3A_581 = tpu.memref_slice %arg6[%mul3A_63, %dma_wait3A_580] : memref<10240x128xf32, #tpu.memory_space<vmem_shared>> -> memref<640x128xf32, #tpu.memory_space<vmem_shared>>
      tpu.wait_dma2 semaphore(%run_scoped3A : memref<!tpu.dma_semaphore, #tpu.memory_space<semaphore_mem>>) src(%dma_wait3A_581 : memref<640x128xf32, #tpu.memory_space<vmem_shared>>) dst(%dma_wait3A_579 : memref<640x128xf32, #tpu.memory_space<hbm>>)
      tpu.yield
    }) : () -> ()
    "tpu.region"() ({
      %run_scoped3A = tpu.sem_alloc : memref<!tpu.dma_semaphore, #tpu.memory_space<semaphore_mem>>
      %dma_start3A_572 = tpu.memref_slice %arg5[%arg0, %mul3A_63] : memref<2x10240xf32, #tpu.memory_space<hbm>> -> memref<1x640xf32, #tpu.memory_space<hbm>>
      %dma_start3A_573 = tpu.memref_squeeze %dma_start3A_572 : memref<1x640xf32, #tpu.memory_space<hbm>> -> memref<640xf32, #tpu.memory_space<hbm>>
      %dma_start3A_574 = tpu.memref_slice %arg7[%mul3A_63] : memref<10240xf32, #tpu.memory_space<vmem_shared>> -> memref<640xf32, #tpu.memory_space<vmem_shared>>
      tpu.enqueue_dma source(%dma_start3A_574 : memref<640xf32, #tpu.memory_space<vmem_shared>>) target(%dma_start3A_573 : memref<640xf32, #tpu.memory_space<hbm>>) target_semaphore(%run_scoped3A : memref<!tpu.dma_semaphore, #tpu.memory_space<semaphore_mem>>)
      %dma_wait3A_575 = tpu.memref_slice %arg5[%arg0, %mul3A_63] : memref<2x10240xf32, #tpu.memory_space<hbm>> -> memref<1x640xf32, #tpu.memory_space<hbm>>
      %dma_wait3A_576 = tpu.memref_squeeze %dma_wait3A_575 : memref<1x640xf32, #tpu.memory_space<hbm>> -> memref<640xf32, #tpu.memory_space<hbm>>
      %dma_wait3A_577 = tpu.memref_slice %arg7[%mul3A_63] : memref<10240xf32, #tpu.memory_space<vmem_shared>> -> memref<640xf32, #tpu.memory_space<vmem_shared>>
      tpu.wait_dma2 semaphore(%run_scoped3A : memref<!tpu.dma_semaphore, #tpu.memory_space<semaphore_mem>>) src(%dma_wait3A_577 : memref<640xf32, #tpu.memory_space<vmem_shared>>) dst(%dma_wait3A_576 : memref<640xf32, #tpu.memory_space<hbm>>)
      tpu.yield
    }) : () -> ()
    return
  }
}

module attributes {stable_mosaic.version = 14 : i64} {
  func.func @_dense_body(%arg0: i32, %arg1: memref<2560x128xf32, #tpu.memory_space<vmem>>, %arg2: memref<2x2560x128xf32, #tpu.memory_space<vmem>>, %arg3: memref<2x2560xf32, #tpu.memory_space<vmem>>, %arg4: memref<4x128x128xf32, #tpu.memory_space<vmem>>, %arg5: memref<4x128x128xf32, #tpu.memory_space<vmem>>, %arg6: memref<4x128xf32, #tpu.memory_space<vmem>>, %arg7: memref<4x128xf32, #tpu.memory_space<vmem>>, %arg8: memref<3x128xf32, #tpu.memory_space<vmem>>, %arg9: memref<4x128xf32, #tpu.memory_space<vmem>>, %arg10: memref<2560x128xf32, #tpu.memory_space<vmem>>, %arg11: memref<2560x128xf32, #tpu.memory_space<vmem>>) attributes {dimension_semantics = [#tpu.dimension_semantics<arbitrary>], iteration_bounds = array<i64: 4>, scalar_prefetch = 0 : i64, scratch_operands = 0 : i64, tpu.core_type = #tpu.core_type<tc>, window_params = [{transform_indices = @transform_0, window_bounds = array<i64: 2560, 128>}, {transform_indices = @transform_1, window_bounds = array<i64: 2, 2560, 128>}, {transform_indices = @transform_2, window_bounds = array<i64: 2, 2560>}, {pipeline_mode = #tpu.pipeline_mode<synchronous>, transform_indices = @transform_3, window_bounds = array<i64: 4, 128, 128>}, {pipeline_mode = #tpu.pipeline_mode<synchronous>, transform_indices = @transform_4, window_bounds = array<i64: 4, 128, 128>}, {pipeline_mode = #tpu.pipeline_mode<synchronous>, transform_indices = @transform_5, window_bounds = array<i64: 4, 128>}, {pipeline_mode = #tpu.pipeline_mode<synchronous>, transform_indices = @transform_6, window_bounds = array<i64: 4, 128>}, {pipeline_mode = #tpu.pipeline_mode<synchronous>, transform_indices = @transform_7, window_bounds = array<i64: 3, 128>}, {pipeline_mode = #tpu.pipeline_mode<synchronous>, transform_indices = @transform_8, window_bounds = array<i64: 4, 128>}, {transform_indices = @transform_9, window_bounds = array<i64: 2560, 128>}, {transform_indices = @transform_10, window_bounds = array<i64: 2560, 128>}]} {
    %get3A = arith.constant 0 : index
    %get3A_0 = arith.constant 0 : index
    %get3A_1 = vector.load %arg1[%get3A, %get3A_0] : memref<2560x128xf32, #tpu.memory_space<vmem>>, vector<2560x128xf32>
    %get3A_2 = arith.constant 0 : index
    %get3A_3 = arith.constant 0 : index
    %get3A_4 = arith.constant 0 : index
    %get3A_5 = vector.load %arg2[%get3A_2, %get3A_3, %get3A_4] : memref<2x2560x128xf32, #tpu.memory_space<vmem>>, vector<1x2560x128xf32>
    %get3A_6 = vector.shape_cast %get3A_5 : vector<1x2560x128xf32> to vector<2560x128xf32>
    %get3A_7 = arith.constant 1 : index
    %get3A_8 = arith.constant 0 : index
    %get3A_9 = arith.constant 0 : index
    %get3A_10 = vector.load %arg2[%get3A_7, %get3A_8, %get3A_9] : memref<2x2560x128xf32, #tpu.memory_space<vmem>>, vector<1x2560x128xf32>
    %get3A_11 = vector.shape_cast %get3A_10 : vector<1x2560x128xf32> to vector<2560x128xf32>
    %add3A = arith.addf %get3A_6, %get3A_11 : vector<2560x128xf32>
    %get3A_12 = arith.constant 0 : index
    %get3A_13 = arith.constant 0 : index
    %get3A_14 = vector.load %arg3[%get3A_12, %get3A_13] : memref<2x2560xf32, #tpu.memory_space<vmem>>, vector<1x2560xf32>
    %get3A_15 = vector.shape_cast %get3A_14 : vector<1x2560xf32> to vector<2560xf32>
    %get3A_16 = arith.constant 1 : index
    %get3A_17 = arith.constant 0 : index
    %get3A_18 = vector.load %arg3[%get3A_16, %get3A_17] : memref<2x2560xf32, #tpu.memory_space<vmem>>, vector<1x2560xf32>
    %get3A_19 = vector.shape_cast %get3A_18 : vector<1x2560xf32> to vector<2560xf32>
    %add3A_20 = arith.addf %get3A_15, %get3A_19 : vector<2560xf32>
    %broadcast_in_dim3A = vector.shape_cast %add3A_20 : vector<2560xf32> to vector<2560x1xf32>
    %max3A = arith.constant 1.000000e+00 : f32
    %max3A_21 = vector.broadcast %max3A : f32 to vector<2560x1xf32>
    %max3A_22 = arith.maximumf %broadcast_in_dim3A, %max3A_21 : vector<2560x1xf32>
    %div3A = vector.broadcast %max3A_22 : vector<2560x1xf32> to vector<2560x128xf32>
    %div3A_23 = arith.divf %add3A, %div3A : vector<2560x128xf32>
    %get3A_24 = arith.constant 0 : index
    %get3A_25 = arith.constant 0 : index
    %get3A_26 = arith.constant 0 : index
    %get3A_27 = vector.load %arg4[%get3A_24, %get3A_25, %get3A_26] : memref<4x128x128xf32, #tpu.memory_space<vmem>>, vector<1x128x128xf32>
    %get3A_28 = vector.shape_cast %get3A_27 : vector<1x128x128xf32> to vector<128x128xf32>
    %dot_general3A = arith.constant dense<0.000000e+00> : vector<2560x128xf32>
    %dot_general3A_29 = tpu.matmul %div3A_23, %get3A_28, %dot_general3A {dimension_numbers = #tpu.dot_dimension_numbers<[1], [0], [0], [1], [0, 0, 1, 1], [], []>, transpose_lhs_hint = false} : vector<2560x128xf32>, vector<128x128xf32>, vector<2560x128xf32> -> vector<2560x128xf32>
    %get3A_30 = arith.constant 0 : index
    %get3A_31 = arith.constant 0 : index
    %get3A_32 = arith.constant 0 : index
    %get3A_33 = vector.load %arg5[%get3A_30, %get3A_31, %get3A_32] : memref<4x128x128xf32, #tpu.memory_space<vmem>>, vector<1x128x128xf32>
    %get3A_34 = vector.shape_cast %get3A_33 : vector<1x128x128xf32> to vector<128x128xf32>
    %dot_general3A_35 = arith.constant dense<0.000000e+00> : vector<2560x128xf32>
    %dot_general3A_36 = tpu.matmul %get3A_1, %get3A_34, %dot_general3A_35 {dimension_numbers = #tpu.dot_dimension_numbers<[1], [0], [0], [1], [0, 0, 1, 1], [], []>, transpose_lhs_hint = false} : vector<2560x128xf32>, vector<128x128xf32>, vector<2560x128xf32> -> vector<2560x128xf32>
    %add3A_37 = arith.addf %dot_general3A_29, %dot_general3A_36 : vector<2560x128xf32>
    %get3A_38 = arith.constant 0 : index
    %get3A_39 = arith.constant 0 : index
    %get3A_40 = vector.load %arg6[%get3A_38, %get3A_39] : memref<4x128xf32, #tpu.memory_space<vmem>>, vector<1x128xf32>
    %get3A_41 = vector.shape_cast %get3A_40 : vector<1x128xf32> to vector<128xf32>
    %broadcast_in_dim3A_42 = vector.shape_cast %get3A_41 : vector<128xf32> to vector<1x128xf32>
    %add3A_43 = vector.broadcast %broadcast_in_dim3A_42 : vector<1x128xf32> to vector<2560x128xf32>
    %add3A_44 = arith.addf %add3A_37, %add3A_43 : vector<2560x128xf32>
    %mul3A = arith.mulf %add3A_44, %add3A_44 : vector<2560x128xf32>
    %reduce_sum3A = arith.constant dense<0.000000e+00> : vector<2560xf32>
    %reduce_sum3A_45 = vector.multi_reduction <add>, %mul3A, %reduce_sum3A [1] : vector<2560x128xf32> to vector<2560xf32>
    %broadcast_in_dim3A_46 = vector.shape_cast %reduce_sum3A_45 : vector<2560xf32> to vector<2560x1xf32>
    %sqrt3A = math.sqrt %broadcast_in_dim3A_46 : vector<2560x1xf32>
    %max3A_47 = arith.constant 9.99999996E-13 : f32
    %max3A_48 = vector.broadcast %max3A_47 : f32 to vector<2560x1xf32>
    %max3A_49 = arith.maximumf %sqrt3A, %max3A_48 : vector<2560x1xf32>
    %div3A_50 = vector.broadcast %max3A_49 : vector<2560x1xf32> to vector<2560x128xf32>
    %div3A_51 = arith.divf %add3A_44, %div3A_50 : vector<2560x128xf32>
    %get3A_52 = arith.constant 0 : index
    %get3A_53 = arith.constant 0 : index
    %get3A_54 = vector.load %arg7[%get3A_52, %get3A_53] : memref<4x128xf32, #tpu.memory_space<vmem>>, vector<1x128xf32>
    %get3A_55 = vector.shape_cast %get3A_54 : vector<1x128xf32> to vector<128xf32>
    %mul3A_56 = arith.mulf %get3A_55, %get3A_55 : vector<128xf32>
    %reduce_sum3A_57 = vector.shape_cast %mul3A_56 : vector<128xf32> to vector<1x128xf32>
    %reduce_sum3A_58 = arith.constant dense<0.000000e+00> : vector<1xf32>
    %reduce_sum3A_59 = vector.multi_reduction <add>, %reduce_sum3A_57, %reduce_sum3A_58 [1] : vector<1x128xf32> to vector<1xf32>
    %reduce_sum3A_60 = vector.shape_cast %reduce_sum3A_59 : vector<1xf32> to vector<1x1xf32>
    %reduce_sum3A_61 = vector.extract %reduce_sum3A_60[0, 0] : f32 from vector<1x1xf32>
    %sqrt3A_62 = math.sqrt %reduce_sum3A_61 : f32
    %max3A_63 = arith.constant 9.99999996E-13 : f32
    %max3A_64 = arith.maximumf %sqrt3A_62, %max3A_63 : f32
    %div3A_65 = vector.broadcast %max3A_64 : f32 to vector<128xf32>
    %div3A_66 = arith.divf %get3A_55, %div3A_65 : vector<128xf32>
    %broadcast_in_dim3A_67 = vector.shape_cast %div3A_66 : vector<128xf32> to vector<1x128xf32>
    %add3A_68 = vector.broadcast %broadcast_in_dim3A_67 : vector<1x128xf32> to vector<2560x128xf32>
    %add3A_69 = arith.addf %div3A_51, %add3A_68 : vector<2560x128xf32>
    %get3A_70 = arith.constant 0 : index
    %get3A_71 = arith.constant 0 : index
    %get3A_72 = vector.load %arg9[%get3A_70, %get3A_71] : memref<4x128xf32, #tpu.memory_space<vmem>>, vector<1x128xf32>
    %get3A_73 = vector.shape_cast %get3A_72 : vector<1x128xf32> to vector<128xf32>
    %broadcast_in_dim3A_74 = vector.shape_cast %get3A_73 : vector<128xf32> to vector<1x128xf32>
    %add3A_75 = vector.broadcast %broadcast_in_dim3A_74 : vector<1x128xf32> to vector<2560x128xf32>
    %add3A_76 = arith.addf %add3A_69, %add3A_75 : vector<2560x128xf32>
    %logistic3A = arith.negf %add3A_76 : vector<2560x128xf32>
    %logistic3A_77 = math.exp %logistic3A : vector<2560x128xf32>
    %logistic3A_78 = arith.constant 1.000000e+00 : f32
    %logistic3A_79 = vector.broadcast %logistic3A_78 : f32 to vector<2560x128xf32>
    %logistic3A_80 = arith.addf %logistic3A_79, %logistic3A_77 : vector<2560x128xf32>
    %logistic3A_81 = arith.divf %logistic3A_79, %logistic3A_80 : vector<2560x128xf32>
    %get3A_82 = arith.constant 2 : index
    %get3A_83 = arith.constant 0 : index
    %get3A_84 = arith.constant 0 : index
    %get3A_85 = vector.load %arg4[%get3A_82, %get3A_83, %get3A_84] : memref<4x128x128xf32, #tpu.memory_space<vmem>>, vector<1x128x128xf32>
    %get3A_86 = vector.shape_cast %get3A_85 : vector<1x128x128xf32> to vector<128x128xf32>
    %dot_general3A_87 = arith.constant dense<0.000000e+00> : vector<2560x128xf32>
    %dot_general3A_88 = tpu.matmul %div3A_23, %get3A_86, %dot_general3A_87 {dimension_numbers = #tpu.dot_dimension_numbers<[1], [0], [0], [1], [0, 0, 1, 1], [], []>, transpose_lhs_hint = false} : vector<2560x128xf32>, vector<128x128xf32>, vector<2560x128xf32> -> vector<2560x128xf32>
    %get3A_89 = arith.constant 2 : index
    %get3A_90 = arith.constant 0 : index
    %get3A_91 = arith.constant 0 : index
    %get3A_92 = vector.load %arg5[%get3A_89, %get3A_90, %get3A_91] : memref<4x128x128xf32, #tpu.memory_space<vmem>>, vector<1x128x128xf32>
    %get3A_93 = vector.shape_cast %get3A_92 : vector<1x128x128xf32> to vector<128x128xf32>
    %dot_general3A_94 = arith.constant dense<0.000000e+00> : vector<2560x128xf32>
    %dot_general3A_95 = tpu.matmul %get3A_1, %get3A_93, %dot_general3A_94 {dimension_numbers = #tpu.dot_dimension_numbers<[1], [0], [0], [1], [0, 0, 1, 1], [], []>, transpose_lhs_hint = false} : vector<2560x128xf32>, vector<128x128xf32>, vector<2560x128xf32> -> vector<2560x128xf32>
    %add3A_96 = arith.addf %dot_general3A_88, %dot_general3A_95 : vector<2560x128xf32>
    %get3A_97 = arith.constant 2 : index
    %get3A_98 = arith.constant 0 : index
    %get3A_99 = vector.load %arg6[%get3A_97, %get3A_98] : memref<4x128xf32, #tpu.memory_space<vmem>>, vector<1x128xf32>
    %get3A_100 = vector.shape_cast %get3A_99 : vector<1x128xf32> to vector<128xf32>
    %broadcast_in_dim3A_101 = vector.shape_cast %get3A_100 : vector<128xf32> to vector<1x128xf32>
    %add3A_102 = vector.broadcast %broadcast_in_dim3A_101 : vector<1x128xf32> to vector<2560x128xf32>
    %add3A_103 = arith.addf %add3A_96, %add3A_102 : vector<2560x128xf32>
    %mul3A_104 = arith.mulf %add3A_103, %add3A_103 : vector<2560x128xf32>
    %reduce_sum3A_105 = arith.constant dense<0.000000e+00> : vector<2560xf32>
    %reduce_sum3A_106 = vector.multi_reduction <add>, %mul3A_104, %reduce_sum3A_105 [1] : vector<2560x128xf32> to vector<2560xf32>
    %broadcast_in_dim3A_107 = vector.shape_cast %reduce_sum3A_106 : vector<2560xf32> to vector<2560x1xf32>
    %sqrt3A_108 = math.sqrt %broadcast_in_dim3A_107 : vector<2560x1xf32>
    %max3A_109 = arith.constant 9.99999996E-13 : f32
    %max3A_110 = vector.broadcast %max3A_109 : f32 to vector<2560x1xf32>
    %max3A_111 = arith.maximumf %sqrt3A_108, %max3A_110 : vector<2560x1xf32>
    %div3A_112 = vector.broadcast %max3A_111 : vector<2560x1xf32> to vector<2560x128xf32>
    %div3A_113 = arith.divf %add3A_103, %div3A_112 : vector<2560x128xf32>
    %get3A_114 = arith.constant 2 : index
    %get3A_115 = arith.constant 0 : index
    %get3A_116 = vector.load %arg7[%get3A_114, %get3A_115] : memref<4x128xf32, #tpu.memory_space<vmem>>, vector<1x128xf32>
    %get3A_117 = vector.shape_cast %get3A_116 : vector<1x128xf32> to vector<128xf32>
    %mul3A_118 = arith.mulf %get3A_117, %get3A_117 : vector<128xf32>
    %reduce_sum3A_119 = vector.shape_cast %mul3A_118 : vector<128xf32> to vector<1x128xf32>
    %reduce_sum3A_120 = arith.constant dense<0.000000e+00> : vector<1xf32>
    %reduce_sum3A_121 = vector.multi_reduction <add>, %reduce_sum3A_119, %reduce_sum3A_120 [1] : vector<1x128xf32> to vector<1xf32>
    %reduce_sum3A_122 = vector.shape_cast %reduce_sum3A_121 : vector<1xf32> to vector<1x1xf32>
    %reduce_sum3A_123 = vector.extract %reduce_sum3A_122[0, 0] : f32 from vector<1x1xf32>
    %sqrt3A_124 = math.sqrt %reduce_sum3A_123 : f32
    %max3A_125 = arith.constant 9.99999996E-13 : f32
    %max3A_126 = arith.maximumf %sqrt3A_124, %max3A_125 : f32
    %div3A_127 = vector.broadcast %max3A_126 : f32 to vector<128xf32>
    %div3A_128 = arith.divf %get3A_117, %div3A_127 : vector<128xf32>
    %broadcast_in_dim3A_129 = vector.shape_cast %div3A_128 : vector<128xf32> to vector<1x128xf32>
    %add3A_130 = vector.broadcast %broadcast_in_dim3A_129 : vector<1x128xf32> to vector<2560x128xf32>
    %add3A_131 = arith.addf %div3A_113, %add3A_130 : vector<2560x128xf32>
    %get3A_132 = arith.constant 2 : index
    %get3A_133 = arith.constant 0 : index
    %get3A_134 = vector.load %arg9[%get3A_132, %get3A_133] : memref<4x128xf32, #tpu.memory_space<vmem>>, vector<1x128xf32>
    %get3A_135 = vector.shape_cast %get3A_134 : vector<1x128xf32> to vector<128xf32>
    %broadcast_in_dim3A_136 = vector.shape_cast %get3A_135 : vector<128xf32> to vector<1x128xf32>
    %add3A_137 = vector.broadcast %broadcast_in_dim3A_136 : vector<1x128xf32> to vector<2560x128xf32>
    %add3A_138 = arith.addf %add3A_131, %add3A_137 : vector<2560x128xf32>
    %tanh3A = math.tanh %add3A_138 : vector<2560x128xf32>
    %mul3A_139 = arith.mulf %logistic3A_81, %tanh3A : vector<2560x128xf32>
    %get3A_140 = arith.constant 3 : index
    %get3A_141 = arith.constant 0 : index
    %get3A_142 = arith.constant 0 : index
    %get3A_143 = vector.load %arg4[%get3A_140, %get3A_141, %get3A_142] : memref<4x128x128xf32, #tpu.memory_space<vmem>>, vector<1x128x128xf32>
    %get3A_144 = vector.shape_cast %get3A_143 : vector<1x128x128xf32> to vector<128x128xf32>
    %dot_general3A_145 = arith.constant dense<0.000000e+00> : vector<2560x128xf32>
    %dot_general3A_146 = tpu.matmul %div3A_23, %get3A_144, %dot_general3A_145 {dimension_numbers = #tpu.dot_dimension_numbers<[1], [0], [0], [1], [0, 0, 1, 1], [], []>, transpose_lhs_hint = false} : vector<2560x128xf32>, vector<128x128xf32>, vector<2560x128xf32> -> vector<2560x128xf32>
    %get3A_147 = arith.constant 3 : index
    %get3A_148 = arith.constant 0 : index
    %get3A_149 = arith.constant 0 : index
    %get3A_150 = vector.load %arg5[%get3A_147, %get3A_148, %get3A_149] : memref<4x128x128xf32, #tpu.memory_space<vmem>>, vector<1x128x128xf32>
    %get3A_151 = vector.shape_cast %get3A_150 : vector<1x128x128xf32> to vector<128x128xf32>
    %dot_general3A_152 = arith.constant dense<0.000000e+00> : vector<2560x128xf32>
    %dot_general3A_153 = tpu.matmul %get3A_1, %get3A_151, %dot_general3A_152 {dimension_numbers = #tpu.dot_dimension_numbers<[1], [0], [0], [1], [0, 0, 1, 1], [], []>, transpose_lhs_hint = false} : vector<2560x128xf32>, vector<128x128xf32>, vector<2560x128xf32> -> vector<2560x128xf32>
    %add3A_154 = arith.addf %dot_general3A_146, %dot_general3A_153 : vector<2560x128xf32>
    %get3A_155 = arith.constant 3 : index
    %get3A_156 = arith.constant 0 : index
    %get3A_157 = vector.load %arg6[%get3A_155, %get3A_156] : memref<4x128xf32, #tpu.memory_space<vmem>>, vector<1x128xf32>
    %get3A_158 = vector.shape_cast %get3A_157 : vector<1x128xf32> to vector<128xf32>
    %broadcast_in_dim3A_159 = vector.shape_cast %get3A_158 : vector<128xf32> to vector<1x128xf32>
    %add3A_160 = vector.broadcast %broadcast_in_dim3A_159 : vector<1x128xf32> to vector<2560x128xf32>
    %add3A_161 = arith.addf %add3A_154, %add3A_160 : vector<2560x128xf32>
    %mul3A_162 = arith.mulf %add3A_161, %add3A_161 : vector<2560x128xf32>
    %reduce_sum3A_163 = arith.constant dense<0.000000e+00> : vector<2560xf32>
    %reduce_sum3A_164 = vector.multi_reduction <add>, %mul3A_162, %reduce_sum3A_163 [1] : vector<2560x128xf32> to vector<2560xf32>
    %broadcast_in_dim3A_165 = vector.shape_cast %reduce_sum3A_164 : vector<2560xf32> to vector<2560x1xf32>
    %sqrt3A_166 = math.sqrt %broadcast_in_dim3A_165 : vector<2560x1xf32>
    %max3A_167 = arith.constant 9.99999996E-13 : f32
    %max3A_168 = vector.broadcast %max3A_167 : f32 to vector<2560x1xf32>
    %max3A_169 = arith.maximumf %sqrt3A_166, %max3A_168 : vector<2560x1xf32>
    %div3A_170 = vector.broadcast %max3A_169 : vector<2560x1xf32> to vector<2560x128xf32>
    %div3A_171 = arith.divf %add3A_161, %div3A_170 : vector<2560x128xf32>
    %get3A_172 = arith.constant 3 : index
    %get3A_173 = arith.constant 0 : index
    %get3A_174 = vector.load %arg7[%get3A_172, %get3A_173] : memref<4x128xf32, #tpu.memory_space<vmem>>, vector<1x128xf32>
    %get3A_175 = vector.shape_cast %get3A_174 : vector<1x128xf32> to vector<128xf32>
    %mul3A_176 = arith.mulf %get3A_175, %get3A_175 : vector<128xf32>
    %reduce_sum3A_177 = vector.shape_cast %mul3A_176 : vector<128xf32> to vector<1x128xf32>
    %reduce_sum3A_178 = arith.constant dense<0.000000e+00> : vector<1xf32>
    %reduce_sum3A_179 = vector.multi_reduction <add>, %reduce_sum3A_177, %reduce_sum3A_178 [1] : vector<1x128xf32> to vector<1xf32>
    %reduce_sum3A_180 = vector.shape_cast %reduce_sum3A_179 : vector<1xf32> to vector<1x1xf32>
    %reduce_sum3A_181 = vector.extract %reduce_sum3A_180[0, 0] : f32 from vector<1x1xf32>
    %sqrt3A_182 = math.sqrt %reduce_sum3A_181 : f32
    %max3A_183 = arith.constant 9.99999996E-13 : f32
    %max3A_184 = arith.maximumf %sqrt3A_182, %max3A_183 : f32
    %div3A_185 = vector.broadcast %max3A_184 : f32 to vector<128xf32>
    %div3A_186 = arith.divf %get3A_175, %div3A_185 : vector<128xf32>
    %broadcast_in_dim3A_187 = vector.shape_cast %div3A_186 : vector<128xf32> to vector<1x128xf32>
    %add3A_188 = vector.broadcast %broadcast_in_dim3A_187 : vector<1x128xf32> to vector<2560x128xf32>
    %add3A_189 = arith.addf %div3A_171, %add3A_188 : vector<2560x128xf32>
    %get3A_190 = arith.constant 3 : index
    %get3A_191 = arith.constant 0 : index
    %get3A_192 = vector.load %arg9[%get3A_190, %get3A_191] : memref<4x128xf32, #tpu.memory_space<vmem>>, vector<1x128xf32>
    %get3A_193 = vector.shape_cast %get3A_192 : vector<1x128xf32> to vector<128xf32>
    %broadcast_in_dim3A_194 = vector.shape_cast %get3A_193 : vector<128xf32> to vector<1x128xf32>
    %add3A_195 = vector.broadcast %broadcast_in_dim3A_194 : vector<1x128xf32> to vector<2560x128xf32>
    %add3A_196 = arith.addf %add3A_189, %add3A_195 : vector<2560x128xf32>
    %get3A_197 = arith.constant 2 : index
    %get3A_198 = arith.constant 0 : index
    %get3A_199 = vector.load %arg8[%get3A_197, %get3A_198] : memref<3x128xf32, #tpu.memory_space<vmem>>, vector<1x128xf32>
    %get3A_200 = vector.shape_cast %get3A_199 : vector<1x128xf32> to vector<128xf32>
    %broadcast_in_dim3A_201 = vector.shape_cast %get3A_200 : vector<128xf32> to vector<1x128xf32>
    %mul3A_202 = vector.broadcast %broadcast_in_dim3A_201 : vector<1x128xf32> to vector<2560x128xf32>
    %mul3A_203 = arith.mulf %mul3A_202, %mul3A_139 : vector<2560x128xf32>
    %add3A_204 = arith.addf %add3A_196, %mul3A_203 : vector<2560x128xf32>
    %logistic3A_205 = arith.negf %add3A_204 : vector<2560x128xf32>
    %logistic3A_206 = math.exp %logistic3A_205 : vector<2560x128xf32>
    %logistic3A_207 = arith.constant 1.000000e+00 : f32
    %logistic3A_208 = vector.broadcast %logistic3A_207 : f32 to vector<2560x128xf32>
    %logistic3A_209 = arith.addf %logistic3A_208, %logistic3A_206 : vector<2560x128xf32>
    %logistic3A_210 = arith.divf %logistic3A_208, %logistic3A_209 : vector<2560x128xf32>
    %tanh3A_211 = math.tanh %mul3A_139 : vector<2560x128xf32>
    %mul3A_212 = arith.mulf %logistic3A_210, %tanh3A_211 : vector<2560x128xf32>
    %swap3A = arith.constant 0 : index
    %swap3A_213 = arith.constant 0 : index
    %swap3A_214 = vector.load %arg10[%swap3A, %swap3A_213] : memref<2560x128xf32, #tpu.memory_space<vmem>>, vector<2560x128xf32>
    tpu.vector_store %arg10[%swap3A, %swap3A_213], %mul3A_212 {strides = array<i32>} : memref<2560x128xf32, #tpu.memory_space<vmem>>, vector<2560x128xf32>,
    %swap3A_215 = arith.constant 0 : index
    %swap3A_216 = arith.constant 0 : index
    %swap3A_217 = vector.load %arg11[%swap3A_215, %swap3A_216] : memref<2560x128xf32, #tpu.memory_space<vmem>>, vector<2560x128xf32>
    tpu.vector_store %arg11[%swap3A_215, %swap3A_216], %mul3A_139 {strides = array<i32>} : memref<2560x128xf32, #tpu.memory_space<vmem>>, vector<2560x128xf32>,
    return
  }
  func.func @transform_0(%arg0: i32) -> (i32, i32) {
    %c0_i32 = arith.constant 0 : i32
    %c0_i32_0 = arith.constant 0 : i32
    return %arg0, %c0_i32 : i32, i32
  }
  func.func @transform_1(%arg0: i32) -> (i32, i32, i32) {
    %c0_i32 = arith.constant 0 : i32
    %c0_i32_0 = arith.constant 0 : i32
    %c0_i32_1 = arith.constant 0 : i32
    return %c0_i32, %arg0, %c0_i32_0 : i32, i32, i32
  }
  func.func @transform_2(%arg0: i32) -> (i32, i32) {
    %c0_i32 = arith.constant 0 : i32
    %c0_i32_0 = arith.constant 0 : i32
    return %c0_i32, %arg0 : i32, i32
  }
  func.func @transform_3(%arg0: i32) -> (i32, i32, i32) {
    %c0_i32 = arith.constant 0 : i32
    %c0_i32_0 = arith.constant 0 : i32
    %c0_i32_1 = arith.constant 0 : i32
    %c0_i32_2 = arith.constant 0 : i32
    return %c0_i32, %c0_i32_0, %c0_i32_1 : i32, i32, i32
  }
  func.func @transform_4(%arg0: i32) -> (i32, i32, i32) {
    %c0_i32 = arith.constant 0 : i32
    %c0_i32_0 = arith.constant 0 : i32
    %c0_i32_1 = arith.constant 0 : i32
    %c0_i32_2 = arith.constant 0 : i32
    return %c0_i32, %c0_i32_0, %c0_i32_1 : i32, i32, i32
  }
  func.func @transform_5(%arg0: i32) -> (i32, i32) {
    %c0_i32 = arith.constant 0 : i32
    %c0_i32_0 = arith.constant 0 : i32
    %c0_i32_1 = arith.constant 0 : i32
    return %c0_i32, %c0_i32_0 : i32, i32
  }
  func.func @transform_6(%arg0: i32) -> (i32, i32) {
    %c0_i32 = arith.constant 0 : i32
    %c0_i32_0 = arith.constant 0 : i32
    %c0_i32_1 = arith.constant 0 : i32
    return %c0_i32, %c0_i32_0 : i32, i32
  }
  func.func @transform_7(%arg0: i32) -> (i32, i32) {
    %c0_i32 = arith.constant 0 : i32
    %c0_i32_0 = arith.constant 0 : i32
    %c0_i32_1 = arith.constant 0 : i32
    return %c0_i32, %c0_i32_0 : i32, i32
  }
  func.func @transform_8(%arg0: i32) -> (i32, i32) {
    %c0_i32 = arith.constant 0 : i32
    %c0_i32_0 = arith.constant 0 : i32
    %c0_i32_1 = arith.constant 0 : i32
    return %c0_i32, %c0_i32_0 : i32, i32
  }
  func.func @transform_9(%arg0: i32) -> (i32, i32) {
    %c0_i32 = arith.constant 0 : i32
    %c0_i32_0 = arith.constant 0 : i32
    return %arg0, %c0_i32 : i32, i32
  }
  func.func @transform_10(%arg0: i32) -> (i32, i32) {
    %c0_i32 = arith.constant 0 : i32
    %c0_i32_0 = arith.constant 0 : i32
    return %arg0, %c0_i32 : i32, i32
  }
}

</mosaic_0001>

<sc_bundles>
// kernel: kernel.4.cloned.1.call-start
scs
__scs_entry_jumppad:
0x0: {  	(pc) =	sbr.rel $0x88, $3  }
0x1: {  	(tag) =	ssettag $0x0;
	lr =	simm.s32 $0x1  }
0x2: {  	[smem:$0x3F99] =	sst lr;
	_ =	strace $0xD0000000  }
0x3: {  	_ = 	snop  }
0x4: {  	_ = 	snop  }
0x5: {  	_ = 	snop  }
0x6: {  	_ = 	snop  }
0x7: {  	_ = 	snop  }
__scs_overlays_trampoline_lowered:
0x8: {  	[smem:$0x3FA8] =	sst s0  }
0x9: {  	[smem:$0x3FA9] =	sst s1  }
0xa: {  	[smem:$0x3FAA] =	sst s2  }
0xb: {  	[smem:$0x3FAB] =	sst s3  }
0xc: {  	[smem:$0x3FAC] =	sst s4  }
0xd: {  	[smem:$0x3FAD] =	sst s5  }
0xe: {  	[smem:$0x3FAE] =	sst s6  }
0xf: {  	[smem:$0x3FAF] =	sst s7  }
0x10: {  	[smem:$0x3FB0] =	sst s8  }
0x11: {  	[smem:$0x3FB1] =	sst s9;
	s0 =	simm.s32 @!p0 $0x0  }
0x12: {  	s1 =	sld [smem:$0x3F97];
	s0 =	simm.s32 @p0 $0x1  }
0x13: {  	[smem:$0x3FB2] =	sst s0;
	s0 =	simm.s32 @!p1 $0x0  }
0x14: {  	s2 =	sld [smem:$0x3F96];
	s0 =	simm.s32 @p1 $0x1  }
0x15: {  	[smem:$0x3FB3] =	sst s0;
	s0 =	simm.s32 @!p2 $0x0  }
0x16: {  	s3 =	sld [smem:$0x3FDB];
	s0 =	simm.s32 @p2 $0x1  }
0x17: {  	s4 =	simm.s32 $0x1BF5;
	[smem:$0x3FB5] =	sst s0  }
0x18: {  	s0 =	sld [smem:$0x3F98];
	_ =	swait.ge [sflag:s4], $0x0  }
0x19: {  	s7 =	sld [smem:$0x3F99]  }
0x1a: {  	s8 =	sadd.s32 $0xFFFFE003, lr  }
0x1b: {  	s9 =	sadd.s32 $0xFFFFFEF7, lr;
	s5 =	simm.s32 $0xFFFFFFFF;
	p2 =	slt.u32 s8, $0xFFFFF086  }
0x1c: {  	p1 =	slt.u32 s9, $0xF7A;
	s5 =	simm.s32 @!p2 $0x0  }
0x1d: {  	s5 =	simm.s32 @p1 $0x1;
	p0 =	seq.s32 s7, s2  }
0x1e: {  	s7 =	smul.u32 @!p0 $0xF7A, s2;
	p2 =	seq.s32 @!p0 s5, $0x0  }
0x1f: {  	s9 =	smul.u32 $0xF7A, s1;
	s8 =	simm.s32 @!p0 $0x1BF5;
	p2 =	por !p2, p0  }
0x20: {  	[sflag:s8] =	ssyncset.s32 @!p0 $0xFFFFF086;
	s6 =	sadd.s32 @!p0 s3, s7;
	s7 =	simm.s32 @!p0 $0x108  }
0x21: {  	s3 =	sadd.s32 s3, s9;
	s6 =	sadd.s32 @!p0 $0x88, s6;
	s7 =	simm.s32 @p2 $0x1082  }
0x22: {  	[simem:s7], [sflag:s8] =	dma.local @!p0 [hbm:s6], $0xF7A  }
0x23: {  	s9 =	sor.u32 $0xD0000000, s2;
	s6 =	simm.s32 $0x108;
	_ =	swait.ge @!p0 [sflag:s8], $0x0  }
0x24: {  	s3 =	sadd.s32 $0x88, s3;
	s6 =	simm.s32 @!p1 $0x1082;
	[sflag:s4] =	ssyncset.s32 $0xFFFFF086  }
0x25: {  	[simem:s6], [sflag:s4] =	dma.local [hbm:s3], $0xF7A  }
0x26: {  	[smem:$0x3F99] =	sst s1;
	(tag) =	ssettag s2;
	_ =	strace s9  }
0x27: {  	s1 =	sld [smem:$0x3FA9]  }
0x28: {  	s2 =	sld [smem:$0x3FAA]  }
0x29: {  	s4 =	sld [smem:$0x3FAC]  }
0x2a: {  	p0 =	seq.s32 s5, $0x0;
	s5 =	sld [smem:$0x3FAD]  }
0x2b: {  	s6 =	sld [smem:$0x3FAE]  }
0x2c: {  	s7 =	sld [smem:$0x3FAF]  }
0x2d: {  	s3 =	simm.s32 $0x108;
	s8 =	sld [smem:$0x3FB0]  }
0x2e: {  	s3 =	simm.s32 @!p0 $0x1082;
	s9 =	sld [smem:$0x3FB1]  }
0x2f: {  	lr =	sadd.s32 s0, s3;
	s0 =	sld [smem:$0x3FA8]  }
0x30: {  	s3 =	sld [smem:$0x3FAB]  }
0x31: {  	[smem:$0x3FB4] =	sst s10  }
0x32: {  	s10 =	sld [smem:$0x3FB2];
	_ =	sdelay $0x3  }
0x33: {  	p0 =	seq.s32 s10, $0x1;
	s10 =	sld [smem:$0x3FB4];
	_ =	sdelay $0x3  }
0x34: {  	[smem:$0x3FB4] =	sst s10  }
0x35: {  	s10 =	sld [smem:$0x3FB3];
	_ =	sdelay $0x3  }
0x36: {  	p1 =	seq.s32 s10, $0x1;
	s10 =	sld [smem:$0x3FB4];
	_ =	sdelay $0x3  }
0x37: {  	[smem:$0x3FB4] =	sst s10  }
0x38: {  	s10 =	sld [smem:$0x3FB5]  }
0x39: {  	_ = 	snop;
	(pc) =	sbr.ind lr, $3  }
0x3a: {  	_ = 	snop  }
0x3b: {  	_ = 	snop  }
0x3c: {  	p2 =	seq.s32 s10, $0x1;
	s10 =	sld [smem:$0x3FB4]  }
0x3d: {  	_ =	shalt  }
0x3e: {  	_ =	shalt  }
0x3f: {  	_ =	shalt  }
0x40: {  	_ =	shalt  }
0x41: {  	_ =	shalt  }
0x42: {  	_ =	shalt  }
0x43: {  	_ =	shalt  }
0x44: {  	_ =	shalt  }
0x45: {  	_ =	shalt  }
0x46: {  	_ =	shalt  }
0x47: {  	_ =	shalt  }
0x48: {  	_ =	shalt  }
0x49: {  	_ =	shalt  }
0x4a: {  	_ =	shalt  }
0x4b: {  	_ =	shalt  }
0x4c: {  	_ =	shalt  }
0x4d: {  	_ =	shalt  }
0x4e: {  	_ =	shalt  }
0x4f: {  	_ =	shalt  }
0x50: {  	_ =	shalt  }
0x51: {  	_ =	shalt  }
0x52: {  	_ =	shalt  }
0x53: {  	_ =	shalt  }
0x54: {  	_ =	shalt  }
0x55: {  	_ =	shalt  }
0x56: {  	_ =	shalt  }
0x57: {  	_ =	shalt  }
0x58: {  	_ =	shalt  }
0x59: {  	_ =	shalt  }
0x5a: {  	_ =	shalt  }
0x5b: {  	_ =	shalt  }
0x5c: {  	_ =	shalt  }
0x5d: {  	_ =	shalt  }
0x5e: {  	_ =	shalt  }
0x5f: {  	_ =	shalt  }
0x60: {  	_ =	shalt  }
0x61: {  	_ =	shalt  }
0x62: {  	_ =	shalt  }
0x63: {  	_ =	shalt  }
0x64: {  	_ =	shalt  }
0x65: {  	_ =	shalt  }
0x66: {  	_ =	shalt  }
0x67: {  	_ =	shalt  }
0x68: {  	_ =	shalt  }
0x69: {  	_ =	shalt  }
0x6a: {  	_ =	shalt  }
0x6b: {  	_ =	shalt  }
0x6c: {  	_ =	shalt  }
0x6d: {  	_ =	shalt  }
0x6e: {  	_ =	shalt  }
0x6f: {  	_ =	shalt  }
0x70: {  	_ =	shalt  }
0x71: {  	_ =	shalt  }
0x72: {  	_ =	shalt  }
0x73: {  	_ =	shalt  }
0x74: {  	_ =	shalt  }
0x75: {  	_ =	shalt  }
0x76: {  	_ =	shalt  }
0x77: {  	_ =	shalt  }
0x78: {  	_ =	shalt  }
0x79: {  	_ =	shalt  }
0x7a: {  	_ =	shalt  }
0x7b: {  	_ =	shalt  }
0x7c: {  	_ =	shalt  }
0x7d: {  	_ =	shalt  }
0x7e: {  	_ =	shalt  }
0x7f: {  	_ =	shalt  }
0x80: {  	_ =	shalt  }
0x81: {  	_ =	shalt  }
0x82: {  	_ =	shalt  }
0x83: {  	_ =	shalt  }
0x84: {  	_ =	shalt  }
0x85: {  	_ =	shalt  }
0x86: {  	_ =	shalt  }
0x87: {  	_ =	shalt  }
.Lfunc_end0:
.L_simem_size_0:
called_computation_lowered:
.L_overlay_start_0:
0x88: {  	s2 =	sld [smem:$0x3FD9]  }
0x89: {  	s3 =	sld [smem:$0x3FFE];
	_ =	sdelay $0x1  }
0x8a: {  	s1 =	srdreg.scid  }
0x8b: {  	s0 =	sand.u32 $0x1, s1  }
0x8c: {  	s14 =	sshll.u32 s0, $0xA;
	s2 =	sadd.s32 s3, s2  }
0x8d: {  	s2 =	sadd.s32 s2, s14  }
0x8e: {  	[smem:$0x3FC0] =	sst s2  }
0x8f: {  	_ = 	snop  }
0x90: {  	s2 =	sld [smem:$0x3FD0];
	_ =	sdelay $0x1  }
0x91: {  	s15 =	sld [smem:$0x3FC9]  }
0x92: {  	s5 =	simm.s32 $0xA;
	s6 =	simm.s32 $0x10;
	s4 =	sld [smem:$0x3FC8]  }
0x93: {  	[smem:s6], [sflag:s5] =	dma.local [hbm:s2], $0x1  }
0x94: {  	_ =	swait.eq [sflag:s5], $0x1  }
0x95: {  	[sflag:s5] =	ssyncset.done $0x0  }
0x96: {  	[sflag:s5] =	ssyncadd.s32 $0xFFFFFFFF  }
0x97: {  	s16 =	sld [smem:$0x11];
	(tm) =	ssettm $0x1  }
0x98: {  	s17 =	sld [smem:$0x3FFB];
	_ =	sdelay $0x3  }
0x99: {  	_ =	strace s17  }
0x9a: {  	s5 =	sld [smem:$0x3FFC];
	_ =	sdelay $0x3  }
0x9b: {  	_ =	strace s5  }
0x9c: {  	s5 =	sld [smem:$0x3FFD];
	_ =	sdelay $0x3  }
0x9d: {  	_ =	strace s5  }
0x9e: {  	_ =	strace $0x8FFFFFFF  }
0x9f: {  	s18 =	sld [smem:$0x3FDB];
	_ =	sdelay $0x1  }
0xa0: {  	s19 =	simm.s32 $_scs_section_size  }
0xa1: {  	s7 =	simm.s32 $_size__tile_overlayer_lowered;
	s8 =	simm.s32 $_tile_overlayer_lowered  }
0xa2: {  	s22 =	simm.s32 $0x1BFF;
	s21 =	sshll.u32 s8, $0x1;
	s5 =	sadd.s32 s19, s18  }
0xa3: {  	s9 =	simm.s32 $0x0;
	s20 =	sshll.u32 s7, $0x1;
	s7 =	sadd.s32 s21, s5  }
0xa4: {  	[timem:s9], [sflag:s22] =	dma.local [hbm:s7], s20  }
0xa5: {  	_ =	swait.ge [sflag:s22], s20  }
0xa6: {  	s6 =	ssub.s32 $0x0, s20;
	[sflag:s22] =	ssyncset.done $0x0  }
0xa7: {  	[sflag:s22] =	ssyncadd.s32 s6;
	_ =	sdelay $0x1  }
0xa8: {  	s23 =	simm.s32 $0x1B8B  }
0xa9: {  	_ =	swait.ge [sflag:s23], $0x1  }
0xaa: {  	[sflag:s23] =	ssyncset.done $0x0  }
0xab: {  	s25 =	simm.s32 $0x1B8E;
	s24 =	sld [smem:$0x3FFE];
	[sflag:s23] =	ssyncadd.s32 $0xFFFFFFFF  }
0xac: {  	s26 =	simm.s32 $execute0_lowered;
	[smem:$0x3FD2] =	sst s25  }
0xad: {  	s7 =	sshll.u32 s26, $0x1;
	_ =	strace $0x80000046;
	[dreg:$0x1] =	wrdreg $0xFFFFFFFF  }
0xae: {  	s28 =	simm.s32 $_size_execute0_lowered;
	s5 =	sadd.s32 s5, s7;
	[dreg:$0x0] =	wrdreg $0x0  }
0xaf: {  	s7 =	sshll.u32 s28, $0x1;
	[dreg:$0x2] =	wrdreg s5  }
0xb0: {  	[dreg:$0x3] =	wrdreg s7  }
0xb1: {  	[dreg:$0x4] =	wrdreg $0xC0  }
0xb2: {  	_ =	task [dreg:s9], $0x5FFFF  }
0xb3: {  	[dreg:$0x1] =	wrdreg $0xFFFFFFFF  }
0xb4: {  	[dreg:$0x0] =	wrdreg $0x60  }
0xb5: {  	[dreg:$0x2] =	wrdreg s15  }
0xb6: {  	[dreg:$0x3] =	wrdreg s4  }
0xb7: {  	[dreg:$0x4] =	wrdreg s24  }
0xb8: {  	[dreg:$0x5] =	wrdreg s16  }
0xb9: {  	[dreg:$0x6] =	wrdreg $0x0  }
0xba: {  	[dreg:$0x7] =	wrdreg $0x140000  }
0xbb: {  	[dreg:$0x8] =	wrdreg $0x9  }
0xbc: {  	_ =	task.clear_ibuf [dreg:s9], $0x9FFFF;
	_ =	strace $0x90000046  }
0xbd: {  	s29 =	simm.s32 $0x9;
	_ =	strace $0x80000048  }
0xbe: {  	_ =	swait.ge [sflag:s29], $0x1  }
0xbf: {  	[sflag:s29] =	ssyncadd.s32 $0xFFFFFFFF  }
0xc0: {  	_ =	strace $0x90000048  }
0xc1: {  	_ =	sfence  }
0xc2: {  	s30 =	sld [smem:$0x0];
	_ =	sdelay $0x2  }
0xc3: {  	s31 =	sshll.u32 s1, $0xD;
	s1 =	sshrl.u32 s1, $0x2  }
0xc4: {  	s3 =	sand.u32 $0x4000, s31;
	s1 =	sadd.s32 s1, s30  }
0xc5: {  	s0 =	sor.u32 s3, s0;
	s1 =	sshll.u32 s1, $0x11  }
0xc6: {  	s0 =	sor.u32 s1, s0  }
0xc7: {  	s0 =	sadd.s32 $0x8F2B, s0  }
0xc8: {  	[sflag:s0] =	ssyncadd.remote.s32 $0x1  }
0xc9: {  	_ =	sfence.sel $0xFFFF  }
0xca: {  	[dreg:$0x0] =	wrdreg $0xFFFFFFFF;
	(pc) =	sbr.abs _section_cstart, $3  }
0xcb: {  	[dreg:$0x1] =	wrdreg $0xFFFFFFFF  }
0xcc: {  	_ =	task.clear_ibuf [dreg:s9], $0x2FFFF;
	_ =	strace $0x9FFFFFFF  }
0xcd: {  	(tm) =	ssettm $0x7FFFFFFF  }
tec
execute0_lowered:
.L_overlay_start_1:
0x0: {  	(tag) =	ssettag $0x1  }
0x1: {  	s0 =	rddreg [dreg:$0x0]  }
0x2: {  	s1 =	rddreg [dreg:$0x1]  }
0x3: {  	s2 =	rddreg [dreg:$0x2]  }
0x4: {  	s3 =	srdreg.scid;
	s7 =	rddreg [dreg:$0x3]  }
0x5: {  	s16 =	stileid.u32;
	s4 =	rddreg [dreg:$0x5]  }
0x6: {  	s5 =	simm.s32 $0x0;
	s29 =	simm.s32 $0x14280;
	s30 =	simm.s32 $0x7  }
0x7: {  	s8 =	sand.u32 $0x1, s3;
	s3 =	rddreg [dreg:$0x4];
	s9 =	smul.u32 $0x14000, s16  }
0x8: {  	s31 =	simm.s32 $0x80;
	[smem:$0x7FF] =	sst s5;
	s15 =	smul.u32 $0x50000, s16  }
0x9: {  	s11 =	sshll.u32 s16, $0x1;
	s14 =	sadd.s32 $0x20, s1;
	s25 =	sshll.u32 s16, $0x6  }
0xa: {  	s6 =	smul.u32 $0x140000, s8;
	_ =	strace $0x80000047;
	s17 =	ssub.s32 $0x2, s8  }
0xb: {  	s12 =	sor.u32 s8, s11;
	[dreg:$0xd] =	wrdreg s25;
	s10 =	sshrl.u32 s17, $0x1  }
0xc: {  	s13 =	smul.u32 $0x9C0, s12;
	s6 =	sadd.s32 s9, s6;
	s9 =	sshrl.u32 s15, $0x2  }
0xd: {  	s10 =	ssub.s32 s17, s10;
	s15 =	smul.u32 $0x4E00, s12;
	s12 =	sshll.u32 s12, $0x4  }
0xe: {  	s6 =	sshrl.u32 s6, $0x3;
	s22 =	sadd.s32 s1, s13;
	s23 =	sadd.s32 s13, s14  }
0xf: {  	s12 =	sand.u32 $0x70, s12;
	s13 =	sand.u32 $0x300, s25;
	[dreg:$0xb] =	wrdreg s22  }
0x10: {  	s2 =	sadd.s32 s6, s2;
	[dreg:$0xc] =	wrdreg s23;
	s22 =	sadd.s32 $0x13800, s1  }
0x11: {  	s6 =	sadd.s32 s9, s3;
	s17 =	sor.u32 s12, s13;
	[dreg:$0x12] =	wrdreg s22  }
0x12: {  	s28 =	simm.s32 $0x14480;
	s9 =	sadd.s32 $0x4000, s6;
	[dreg:$0xe] =	wrdreg s17  }
0x13: {  	s19 =	smul.u32 $0xA00, s16;
	s18 =	sadd.s32 $0x8000, s6;
	[dreg:$0x7] =	wrdreg s9  }
0x14: {  	s26 =	smul.u32 $0x500, s16;
	s20 =	sadd.s32 $0xC000, s6;
	[dreg:$0x8] =	wrdreg s18  }
0x15: {  	s24 =	sshrl.u32 s15, $0x3;
	s21 =	sadd.s32 $0x10000, s6;
	[dreg:$0x9] =	wrdreg s20  }
0x16: {  	s13 =	simm.s32 $0x3;
	s2 =	sadd.s32 $0x1A00, s2;
	[dreg:$0xa] =	wrdreg s21  }
0x17: {  	s9 =	sshrl.u32 s19, $0x2;
	s18 =	sshll.u32 s8, $0x7;
	s19 =	smul.u32 $0x9C, s16  }
0x18: {  	s8 =	smul.u32 $0x4E, s8;
	[dreg:$0x14] =	wrdreg s2;
	s16 =	simm.s32 $0x5  }
0x19: {  	s11 =	sadd.s32 s9, s4;
	s9 =	sadd.s32 s1, s24;
	s12 =	sor.u32 s18, s26  }
0x1a: {  	s24 =	sadd.s32 $0x1C580, s17;
	s26 =	smax.u32 s10, $0x1;
	s10 =	simm.s32 $0x2  }
0x1b: {  	s17 =	simm.s32 $0x4;
	s18 =	simm.s32 $0x6;
	s20 =	sadd.s32 $0x40, s9  }
0x1c: {  	s9 =	sadd.s32 $0x9A0, s9;
	s21 =	sshrl.u32 s12, $0x3;
	[dreg:$0x13] =	wrdreg s24  }
0x1d: {  	s23 =	sadd.s32 s8, s19;
	[dreg:$0x15] =	wrdreg s26;
	s26 =	simm.s32 $0x9  }
0x1e: {  	s8 =	simm.s32 $0x8;
	s12 =	simm.s32 $0x14500;
	[dreg:$0xf] =	wrdreg s20  }
0x1f: {  	s19 =	simm.s32 $0x10;
	[dreg:$0x10] =	wrdreg s9;
	s7 =	sadd.s32 s7, s21  }
0x20: {  	s25 =	sshll.u32 s23, $0x5;
	s9 =	simm.s32 $0x18580;
	s21 =	simm.s32 $0x0  }
0x21: {  	[dreg:$0x11] =	wrdreg s7;
	s1 =	sadd.s32 s1, s25;
	s2 =	sadd.s32 s14, s25  }
0x22: {  	s25 =	simm.s32 $0x14580;
	s7 =	simm.s32 $0x1D280;
	s23 =	sadd.s32 $0x80, s1  }
0x23: {  	v0 =	vimm.f32 $0.0e+00;
	v1 =	vimm.f32 $1.000000000e+00;
	s24 =	sadd.s32 $0x40, s2;
	s2 =	simm.s32 $0x14380;
	s1 =	simm.s32 $0x1  }
.LBB2_1:
0x24: {  	s15 =	simm.s32 $0x0;
	s22 =	simm.s32 $0x200  }
.LBB2_2:
0x25: {  	p0 =	sne.s32 s22, $0xFE00;
	[tilespmem:s15+$0x145F0] =	vst v0  }
0x26: {  	[tilespmem:s15+$0x14580] =	vst v0  }
0x27: {  	[tilespmem:s15+$0x14590] =	vst v0  }
.Ltmp0:
0x28: {  	[tilespmem:s15+$0x145A0] =	vst v0;
	(pc) =	sbr.rel @p0 .LBB2_2-.Ltmp0, $4  }
0x29: {  	[tilespmem:s15+$0x145B0] =	vst v0  }
0x2a: {  	[tilespmem:s15+$0x145C0] =	vst v0  }
0x2b: {  	[tilespmem:s15+$0x145D0] =	vst v0  }
0x2c: {  	[tilespmem:s15+$0x145E0] =	vst v0;
	s15 =	sshra.s32 s22, $0x2;
	s22 =	sadd.s32 $0x200, s22  }
0x2d: {  	[tilespmem:s15+$0x145F0] =	vst v0  }
0x2e: {  	[tilespmem:s15+$0x14580] =	vst v0  }
0x2f: {  	[tilespmem:s15+$0x14590] =	vst v0  }
0x30: {  	[tilespmem:s15+$0x145A0] =	vst v0  }
0x31: {  	[tilespmem:s15+$0x145B0] =	vst v0  }
0x32: {  	[tilespmem:s15+$0x145C0] =	vst v0  }
0x33: {  	[tilespmem:s15+$0x145D0] =	vst v0  }
0x34: {  	[tilespmem:s15+$0x145E0] =	vst v0  }
0x35: {  	[tilespmem:$0x1D300] =	vst v0  }
0x36: {  	[tilespmem:$0x1D310] =	vst v0  }
0x37: {  	[tilespmem:$0x1D320] =	vst v0  }
0x38: {  	[tilespmem:$0x1D330] =	vst v0  }
0x39: {  	[tilespmem:$0x1D340] =	vst v0  }
0x3a: {  	[tilespmem:$0x1D350] =	vst v0  }
0x3b: {  	[tilespmem:$0x1D360] =	vst v0  }
0x3c: {  	[tilespmem:$0x1D370] =	vst v0  }
0x3d: {  	[tilespmem:$0x1D380] =	vst v0  }
0x3e: {  	[tilespmem:$0x1D390] =	vst v0  }
0x3f: {  	[tilespmem:$0x1D3A0] =	vst v0  }
0x40: {  	[tilespmem:$0x1D3B0] =	vst v0  }
0x41: {  	[tilespmem:$0x1D3C0] =	vst v0  }
0x42: {  	[tilespmem:$0x1D3D0] =	vst v0  }
0x43: {  	[tilespmem:$0x1D3E0] =	vst v0  }
0x44: {  	[tilespmem:$0x1D3F0] =	vst v0  }
0x45: {  	[tilespmem:$0x1D400] =	vst v0  }
0x46: {  	[tilespmem:$0x1D410] =	vst v0  }
0x47: {  	[tilespmem:$0x1D420] =	vst v0  }
0x48: {  	[tilespmem:$0x1D430] =	vst v0  }
0x49: {  	[tilespmem:$0x1D440] =	vst v0  }
0x4a: {  	[tilespmem:$0x1D450] =	vst v0  }
0x4b: {  	[tilespmem:$0x1D460] =	vst v0  }
0x4c: {  	[tilespmem:$0x1D470] =	vst v0  }
0x4d: {  	[tilespmem:$0x1D480] =	vst v0  }
0x4e: {  	[tilespmem:$0x1D490] =	vst v0  }
0x4f: {  	[tilespmem:$0x1D4A0] =	vst v0  }
0x50: {  	[tilespmem:$0x1D4B0] =	vst v0  }
0x51: {  	[tilespmem:$0x1D4C0] =	vst v0  }
0x52: {  	[tilespmem:$0x1D4D0] =	vst v0  }
0x53: {  	[tilespmem:$0x1D4E0] =	vst v0  }
0x54: {  	[tilespmem:$0x1D4F0] =	vst v0  }
0x55: {  	[tilespmem:$0x1D500] =	vst v0  }
0x56: {  	[tilespmem:$0x1D510] =	vst v0  }
0x57: {  	[tilespmem:$0x1D520] =	vst v0  }
0x58: {  	[tilespmem:$0x1D530] =	vst v0  }
0x59: {  	[tilespmem:$0x1D540] =	vst v0  }
0x5a: {  	[tilespmem:$0x1D550] =	vst v0  }
0x5b: {  	[tilespmem:$0x1D560] =	vst v0  }
0x5c: {  	[tilespmem:$0x1D570] =	vst v0  }
0x5d: {  	[tilespmem:$0x1D280] =	vst v1  }
0x5e: {  	[tilespmem:$0x1D290] =	vst v1  }
0x5f: {  	[tilespmem:$0x1D2A0] =	vst v1  }
0x60: {  	[tilespmem:$0x1D2B0] =	vst v1  }
0x61: {  	[tilespmem:$0x1D2C0] =	vst v1  }
0x62: {  	[tilespmem:$0x1D2D0] =	vst v1  }
0x63: {  	[tilespmem:$0x1D2E0] =	vst v1  }
0x64: {  	[tilespmem:$0x1D2F0] =	vst v1  }
0x65: {  	[spmem:s6] =	stream.linear.scatter [tilespmem:s25], [sflag:$0x9], $0x4000, $0x38;
	[tilespmem:$0x1D580] =	vst v63  }
0x66: {  	_ =	swait.ge [sflag:s26], $0x4000  }
0x67: {  	[sflag:s26] =	ssyncset.done $0x0  }
0x68: {  	s14 =	rddreg [dreg:$0x7];
	[sflag:s26] =	ssyncadd.s32 $0xFFFFC000  }
0x69: {  	[spmem:s14] =	stream.linear.scatter [tilespmem:s25], [sflag:$0x9], $0x4000, $0x38;
	[tilespmem:$0x1D580] =	vst v63  }
0x6a: {  	_ =	swait.ge [sflag:s26], $0x4000  }
0x6b: {  	[sflag:s26] =	ssyncset.done $0x0  }
0x6c: {  	s22 =	rddreg [dreg:$0x8];
	[sflag:s26] =	ssyncadd.s32 $0xFFFFC000  }
0x6d: {  	[spmem:s22] =	stream.linear.scatter [tilespmem:s25], [sflag:$0x9], $0x4000, $0x38;
	[tilespmem:$0x1D580] =	vst v63  }
0x6e: {  	_ =	swait.ge [sflag:s26], $0x4000  }
0x6f: {  	[sflag:s26] =	ssyncset.done $0x0  }
0x70: {  	s15 =	rddreg [dreg:$0x9];
	[sflag:s26] =	ssyncadd.s32 $0xFFFFC000  }
0x71: {  	[spmem:s15] =	stream.linear.scatter [tilespmem:s25], [sflag:$0x9], $0x4000, $0x38;
	[tilespmem:$0x1D580] =	vst v63  }
0x72: {  	_ =	swait.ge [sflag:s26], $0x4000  }
0x73: {  	[sflag:s26] =	ssyncset.done $0x0  }
0x74: {  	s20 =	rddreg [dreg:$0xa];
	[sflag:s26] =	ssyncadd.s32 $0xFFFFC000  }
0x75: {  	[spmem:s20] =	stream.linear.scatter [tilespmem:s25], [sflag:$0x9], $0x4000, $0x38;
	[tilespmem:$0x1D580] =	vst v63  }
0x76: {  	_ =	swait.ge [sflag:s26], $0x4000  }
0x77: {  	[sflag:s26] =	ssyncset.done $0x0  }
0x78: {  	s22 =	simm.s32 $0x1D300;
	[sflag:s26] =	ssyncadd.s32 $0xFFFFC000  }
0x79: {  	[spmem:s11] =	stream.linear.scatter [tilespmem:s22], [sflag:$0x9], $0x280, $0x38;
	[tilespmem:$0x1D580] =	vst v63  }
0x7a: {  	_ =	swait.ge [sflag:s26], $0x280  }
0x7b: {  	[sflag:s26] =	ssyncset.done $0x0  }
0x7c: {  	[sflag:s26] =	ssyncadd.s32 $0xFFFFFD80  }
0x7d: {  	[bflag:$0x0] =	sbarrier.arrive $0xFFFF  }
0x7e: {  	s22 =	simm.s32 $0x0;
	s15 =	rddreg [dreg:$0xb]  }
0x7f: {  	[tilespmem:s29], [sflag:$0x7] =	stream.linear.gather [hbm4b:s15+s22], $0x100, $0x38;
	[tilespmem:$0x1D580] =	vst v63  }
0x80: {  	_ =	swait.ge [sflag:s30], $0x100  }
0x81: {  	[sflag:s30] =	ssyncset.done $0x0  }
0x82: {  	[sflag:s30] =	ssyncadd.s32 $0xFFFFFF00  }
0x83: {  	[tilespmem:s25], [sflag:$0x1] =	stream.indirect.gather [hbm4b:s0+s31], $0x80, s29, s31, $0xb8;
	[tilespmem:$0x1D580] =	vst v63  }
0x84: {  	s20 =	rddreg [dreg:$0xc]  }
0x85: {  	[tilespmem:s2], [sflag:$0x8] =	stream.linear.gather [hbm4b:s20+s22], $0x100, $0x38;
	[tilespmem:$0x1D580] =	vst v63  }
0x86: {  	_ =	swait.ge [sflag:s1], $0x4000  }
0x87: {  	[sflag:s1] =	ssyncset.done $0x0  }
0x88: {  	[sflag:s1] =	ssyncadd.s32 $0xFFFFC000  }
0x89: {  	v2 =	vld [tilespmem:$0x14300]  }
0x8a: {  	v3 =	vld [tilespmem:$0x14310]  }
0x8b: {  	v4 =	vld [tilespmem:$0x14320]  }
0x8c: {  	v5 =	vld [tilespmem:$0x14330]  }
0x8d: {  	v6 =	vld [tilespmem:$0x14340]  }
0x8e: {  	v56 =	vld [tilespmem:$0x14370];
	[tilespmem:$0x14480] =	vst v2  }
0x8f: {  	v2 =	vld [tilespmem:$0x14350];
	[tilespmem:$0x14490] =	vst v3  }
0x90: {  	v3 =	vld [tilespmem:$0x14360];
	[tilespmem:$0x144A0] =	vst v4  }
0x91: {  	[tilespmem:$0x144B0] =	vst v5  }
0x92: {  	[tilespmem:$0x144C0] =	vst v6  }
0x93: {  	[tilespmem:$0x144F0] =	vst v56  }
0x94: {  	[tilespmem:$0x144D0] =	vst v2  }
0x95: {  	[tilespmem:$0x144E0] =	vst v3  }
0x96: {  	[spmem:s3] =	stream.indirect.scatter.add.f32 [tilespmem:s25], [sflag:$0x3], $0x80, s28, s31, $0xb8;
	[tilespmem:$0x1D580] =	vst v63  }
0x97: {  	_ = 	snop  }
0x98: {  	[spmem:s4] =	stream.indirect.scatter.add.f32 [tilespmem:s7], [sflag:$0x5], $0x1, s28, s31, $0xb8;
	[tilespmem:$0x1D580] =	vst v63  }
0x99: {  	s15 =	rddreg [dreg:$0xf]  }
0x9a: {  	[tilespmem:s29], [sflag:$0x7] =	stream.linear.gather [hbm4b:s15+s22], $0x100, $0x38;
	[tilespmem:$0x1D580] =	vst v63  }
0x9b: {  	_ =	swait.ge [sflag:s8], $0x100  }
0x9c: {  	[sflag:s8] =	ssyncset.done $0x0  }
0x9d: {  	[sflag:s8] =	ssyncadd.s32 $0xFFFFFF00  }
0x9e: {  	[tilespmem:s9], [sflag:$0x2] =	stream.indirect.gather [hbm4b:s0+s31], $0x80, s2, s31, $0xb8;
	[tilespmem:$0x1D580] =	vst v63  }
0x9f: {  	_ =	swait.ge [sflag:s10], $0x4000  }
0xa0: {  	[sflag:s10] =	ssyncset.done $0x0  }
0xa1: {  	[sflag:s10] =	ssyncadd.s32 $0xFFFFC000  }
0xa2: {  	v2 =	vld [tilespmem:$0x14470]  }
0xa3: {  	v3 =	vld [tilespmem:$0x14450]  }
0xa4: {  	v57 =	vld [tilespmem:$0x14460]  }
0xa5: {  	v58 =	vld [tilespmem:$0x14430]  }
0xa6: {  	v59 =	vld [tilespmem:$0x14440]  }
0xa7: {  	v7 =	vld [tilespmem:$0x14400];
	[tilespmem:$0x14570] =	vst v2  }
0xa8: {  	v2 =	vld [tilespmem:$0x14420];
	[tilespmem:$0x14550] =	vst v3  }
0xa9: {  	v3 =	vld [tilespmem:$0x14410];
	[tilespmem:$0x14560] =	vst v57  }
0xaa: {  	[tilespmem:$0x14530] =	vst v58  }
0xab: {  	[tilespmem:$0x14540] =	vst v59  }
0xac: {  	[tilespmem:$0x14500] =	vst v7  }
0xad: {  	[tilespmem:$0x14520] =	vst v2  }
0xae: {  	[tilespmem:$0x14510] =	vst v3  }
0xaf: {  	[spmem:s3] =	stream.indirect.scatter.add.f32 [tilespmem:s9], [sflag:$0x4], $0x80, s12, s31, $0xb8;
	[tilespmem:$0x1D580] =	vst v63  }
0xb0: {  	_ = 	snop  }
0xb1: {  	[spmem:s4] =	stream.indirect.scatter.add.f32 [tilespmem:s7], [sflag:$0x6], $0x1, s12, s31, $0xb8;
	[tilespmem:$0x1D580] =	vst v63  }
0xb2: {  	s20 =	sadd.s32 $0x0, s24  }
0xb3: {  	[tilespmem:s2], [sflag:$0x8] =	stream.linear.gather [hbm4b:s20+s5], $0x100, $0x38;
	[tilespmem:$0x1D580] =	vst v63  }
0xb4: {  	_ =	swait.ge [sflag:s13], $0x4000  }
0xb5: {  	[sflag:s13] =	ssyncset.done $0x0  }
0xb6: {  	[sflag:s13] =	ssyncadd.s32 $0xFFFFC000  }
0xb7: {  	_ =	swait.ge [sflag:s16], $0x80  }
0xb8: {  	[sflag:s16] =	ssyncset.done $0x0  }
0xb9: {  	[sflag:s16] =	ssyncadd.s32 $0xFFFFFF80  }
0xba: {  	_ =	swait.ge [sflag:s30], $0x100  }
0xbb: {  	[sflag:s30] =	ssyncset.done $0x0  }
0xbc: {  	[sflag:s30] =	ssyncadd.s32 $0xFFFFFF00  }
0xbd: {  	[tilespmem:s25], [sflag:$0x1] =	stream.indirect.gather [hbm4b:s0+s31], $0x80, s29, s31, $0xb8;
	[tilespmem:$0x1D580] =	vst v63  }
0xbe: {  	_ =	swait.ge [sflag:s1], $0x4000  }
0xbf: {  	[sflag:s1] =	ssyncset.done $0x0  }
0xc0: {  	[sflag:s1] =	ssyncadd.s32 $0xFFFFC000  }
0xc1: {  	v2 =	vld [tilespmem:$0x14300]  }
0xc2: {  	v3 =	vld [tilespmem:$0x14350]  }
0xc3: {  	v60 =	vld [tilespmem:$0x14370]  }
0xc4: {  	v61 =	vld [tilespmem:$0x14360]  }
0xc5: {  	v62 =	vld [tilespmem:$0x14310]  }
0xc6: {  	v63 =	vld [tilespmem:$0x14340];
	[tilespmem:$0x14480] =	vst v2  }
0xc7: {  	v2 =	vld [tilespmem:$0x14320];
	[tilespmem:$0x144D0] =	vst v3  }
0xc8: {  	v3 =	vld [tilespmem:$0x14330];
	[tilespmem:$0x144F0] =	vst v60  }
0xc9: {  	[tilespmem:$0x144E0] =	vst v61  }
0xca: {  	[tilespmem:$0x14490] =	vst v62  }
0xcb: {  	[tilespmem:$0x144C0] =	vst v63  }
0xcc: {  	[tilespmem:$0x144A0] =	vst v2  }
0xcd: {  	s15 =	simm.s32 $0x40;
	[tilespmem:$0x144B0] =	vst v3  }
.LBB2_4:
0xce: {  	[spmem:s3] =	stream.indirect.scatter.add.f32 [tilespmem:s25], [sflag:$0x3], $0x80, s28, s31, $0xb8;
	[tilespmem:$0x1D580] =	vst v63  }
0xcf: {  	s20 =	smov.u32 s15  }
0xd0: {  	p0 =	sne.s32 s15, $0x900;
	s15 =	sadd.s32 $0x40, s15;
	s14 =	sadd.s32 s22, s23  }
0xd1: {  	[spmem:s4] =	stream.indirect.scatter.add.f32 [tilespmem:s7], [sflag:$0x5], $0x1, s28, s31, $0xb8;
	[tilespmem:$0x1D580] =	vst v63  }
0xd2: {  	s22 =	smov.u32 s20  }
0xd3: {  	[tilespmem:s29], [sflag:$0x7] =	stream.linear.gather [hbm4b:s14+s5], $0x100, $0x38;
	[tilespmem:$0x1D580] =	vst v63  }
0xd4: {  	_ =	swait.ge [sflag:s17], $0x4000  }
0xd5: {  	[sflag:s17] =	ssyncset.done $0x0  }
0xd6: {  	[sflag:s17] =	ssyncadd.s32 $0xFFFFC000  }
0xd7: {  	_ =	swait.ge [sflag:s18], $0x80  }
0xd8: {  	[sflag:s18] =	ssyncset.done $0x0  }
0xd9: {  	[sflag:s18] =	ssyncadd.s32 $0xFFFFFF80  }
0xda: {  	_ =	swait.ge [sflag:s8], $0x100  }
0xdb: {  	[sflag:s8] =	ssyncset.done $0x0  }
0xdc: {  	[sflag:s8] =	ssyncadd.s32 $0xFFFFFF00  }
0xdd: {  	[tilespmem:s9], [sflag:$0x2] =	stream.indirect.gather [hbm4b:s0+s31], $0x80, s2, s31, $0xb8;
	[tilespmem:$0x1D580] =	vst v63  }
0xde: {  	_ =	swait.ge [sflag:s10], $0x4000  }
0xdf: {  	[sflag:s10] =	ssyncset.done $0x0  }
0xe0: {  	[sflag:s10] =	ssyncadd.s32 $0xFFFFC000  }
0xe1: {  	v2 =	vld [tilespmem:$0x14470]  }
0xe2: {  	v3 =	vld [tilespmem:$0x14450]  }
0xe3: {  	v4 =	vld [tilespmem:$0x14460]  }
0xe4: {  	v5 =	vld [tilespmem:$0x14430]  }
0xe5: {  	v6 =	vld [tilespmem:$0x14440]  }
0xe6: {  	v7 =	vld [tilespmem:$0x14400];
	[tilespmem:$0x14570] =	vst v2  }
0xe7: {  	v2 =	vld [tilespmem:$0x14420];
	[tilespmem:$0x14550] =	vst v3  }
0xe8: {  	v3 =	vld [tilespmem:$0x14410];
	[tilespmem:$0x14560] =	vst v4  }
0xe9: {  	[tilespmem:$0x14530] =	vst v5  }
0xea: {  	[tilespmem:$0x14540] =	vst v6  }
0xeb: {  	[tilespmem:$0x14500] =	vst v7  }
0xec: {  	[tilespmem:$0x14520] =	vst v2  }
0xed: {  	[tilespmem:$0x14510] =	vst v3  }
0xee: {  	[spmem:s3] =	stream.indirect.scatter.add.f32 [tilespmem:s9], [sflag:$0x4], $0x80, s12, s31, $0xb8;
	[tilespmem:$0x1D580] =	vst v63  }
0xef: {  	_ = 	snop  }
0xf0: {  	[spmem:s4] =	stream.indirect.scatter.add.f32 [tilespmem:s7], [sflag:$0x6], $0x1, s12, s31, $0xb8;
	[tilespmem:$0x1D580] =	vst v63  }
0xf1: {  	s14 =	sadd.s32 s22, s24  }
0xf2: {  	[tilespmem:s2], [sflag:$0x8] =	stream.linear.gather [hbm4b:s14+s5], $0x100, $0x38;
	[tilespmem:$0x1D580] =	vst v63  }
0xf3: {  	_ =	swait.ge [sflag:s13], $0x4000  }
0xf4: {  	[sflag:s13] =	ssyncset.done $0x0  }
0xf5: {  	[sflag:s13] =	ssyncadd.s32 $0xFFFFC000  }
0xf6: {  	_ =	swait.ge [sflag:s16], $0x80  }
0xf7: {  	[sflag:s16] =	ssyncset.done $0x0  }
0xf8: {  	[sflag:s16] =	ssyncadd.s32 $0xFFFFFF80  }
0xf9: {  	_ =	swait.ge [sflag:s30], $0x100  }
0xfa: {  	[sflag:s30] =	ssyncset.done $0x0  }
0xfb: {  	[sflag:s30] =	ssyncadd.s32 $0xFFFFFF00  }
0xfc: {  	[tilespmem:s25], [sflag:$0x1] =	stream.indirect.gather [hbm4b:s0+s31], $0x80, s29, s31, $0xb8;
	[tilespmem:$0x1D580] =	vst v63  }
0xfd: {  	_ =	swait.ge [sflag:s1], $0x4000  }
0xfe: {  	[sflag:s1] =	ssyncset.done $0x0  }
0xff: {  	[sflag:s1] =	ssyncadd.s32 $0xFFFFC000  }
0x100: {  	v2 =	vld [tilespmem:$0x14300]  }
0x101: {  	v3 =	vld [tilespmem:$0x14350]  }
0x102: {  	v4 =	vld [tilespmem:$0x14370]  }
0x103: {  	v5 =	vld [tilespmem:$0x14360]  }
0x104: {  	v6 =	vld [tilespmem:$0x14310]  }
0x105: {  	[tilespmem:$0x14480] =	vst v2;
	v2 =	vld [tilespmem:$0x14320]  }
0x106: {  	v7 =	vld [tilespmem:$0x14340];
	[tilespmem:$0x144D0] =	vst v3  }
0x107: {  	v3 =	vld [tilespmem:$0x14330];
	[tilespmem:$0x144F0] =	vst v4  }
.Ltmp1:
0x108: {  	[tilespmem:$0x144E0] =	vst v5;
	(pc) =	sbr.rel @p0 .LBB2_4-.Ltmp1, $4  }
0x109: {  	[tilespmem:$0x14490] =	vst v6  }
0x10a: {  	[tilespmem:$0x144A0] =	vst v2  }
0x10b: {  	[tilespmem:$0x144C0] =	vst v7  }
0x10c: {  	[tilespmem:$0x144B0] =	vst v3  }
0x10d: {  	[spmem:s3] =	stream.indirect.scatter.add.f32 [tilespmem:s25], [sflag:$0x3], $0x80, s28, s31, $0xb8;
	[tilespmem:$0x1D580] =	vst v63  }
0x10e: {  	_ = 	snop  }
0x10f: {  	[spmem:s4] =	stream.indirect.scatter.add.f32 [tilespmem:s7], [sflag:$0x5], $0x1, s28, s31, $0xb8;
	[tilespmem:$0x1D580] =	vst v63  }
0x110: {  	s14 =	sadd.s32 s22, s23  }
0x111: {  	[tilespmem:s29], [sflag:$0x7] =	stream.linear.gather [hbm4b:s14+s5], $0x100, $0x38;
	[tilespmem:$0x1D580] =	vst v63  }
0x112: {  	_ =	swait.ge [sflag:s17], $0x4000  }
0x113: {  	[sflag:s17] =	ssyncset.done $0x0  }
0x114: {  	[sflag:s17] =	ssyncadd.s32 $0xFFFFC000  }
0x115: {  	_ =	swait.ge [sflag:s18], $0x80  }
0x116: {  	[sflag:s18] =	ssyncset.done $0x0  }
0x117: {  	[sflag:s18] =	ssyncadd.s32 $0xFFFFFF80  }
0x118: {  	_ =	swait.ge [sflag:s8], $0x100  }
0x119: {  	[sflag:s8] =	ssyncset.done $0x0  }
0x11a: {  	[sflag:s8] =	ssyncadd.s32 $0xFFFFFF00  }
0x11b: {  	[tilespmem:s9], [sflag:$0x2] =	stream.indirect.gather [hbm4b:s0+s31], $0x80, s2, s31, $0xb8;
	[tilespmem:$0x1D580] =	vst v63  }
0x11c: {  	_ =	swait.ge [sflag:s10], $0x4000  }
0x11d: {  	[sflag:s10] =	ssyncset.done $0x0  }
0x11e: {  	[sflag:s10] =	ssyncadd.s32 $0xFFFFC000  }
0x11f: {  	v2 =	vld [tilespmem:$0x14400]  }
0x120: {  	v3 =	vld [tilespmem:$0x14410]  }
0x121: {  	v4 =	vld [tilespmem:$0x14420]  }
0x122: {  	v5 =	vld [tilespmem:$0x14430]  }
0x123: {  	v6 =	vld [tilespmem:$0x14440]  }
0x124: {  	v55 =	vld [tilespmem:$0x14470];
	[tilespmem:$0x14500] =	vst v2  }
0x125: {  	v2 =	vld [tilespmem:$0x14450];
	[tilespmem:$0x14510] =	vst v3  }
0x126: {  	v3 =	vld [tilespmem:$0x14460];
	[tilespmem:$0x14520] =	vst v4  }
0x127: {  	[tilespmem:$0x14530] =	vst v5  }
0x128: {  	[tilespmem:$0x14540] =	vst v6  }
0x129: {  	[tilespmem:$0x14570] =	vst v55  }
0x12a: {  	[tilespmem:$0x14550] =	vst v2  }
0x12b: {  	[tilespmem:$0x14560] =	vst v3  }
0x12c: {  	[spmem:s3] =	stream.indirect.scatter.add.f32 [tilespmem:s9], [sflag:$0x4], $0x80, s12, s31, $0xb8;
	[tilespmem:$0x1D580] =	vst v63  }
0x12d: {  	_ = 	snop  }
0x12e: {  	[spmem:s4] =	stream.indirect.scatter.add.f32 [tilespmem:s7], [sflag:$0x6], $0x1, s12, s31, $0xb8;
	[tilespmem:$0x1D580] =	vst v63  }
0x12f: {  	s20 =	rddreg [dreg:$0x10]  }
0x130: {  	[tilespmem:s2], [sflag:$0x8] =	stream.linear.gather [hbm4b:s20+s5], $0x100, $0x38;
	[tilespmem:$0x1D580] =	vst v63  }
0x131: {  	_ =	swait.ge [sflag:s13], $0x4000  }
0x132: {  	[sflag:s13] =	ssyncset.done $0x0  }
0x133: {  	[sflag:s13] =	ssyncadd.s32 $0xFFFFC000  }
0x134: {  	_ =	swait.ge [sflag:s16], $0x80  }
0x135: {  	[sflag:s16] =	ssyncset.done $0x0  }
0x136: {  	[sflag:s16] =	ssyncadd.s32 $0xFFFFFF80  }
0x137: {  	_ =	swait.ge [sflag:s30], $0x100  }
0x138: {  	[sflag:s30] =	ssyncset.done $0x0  }
0x139: {  	[sflag:s30] =	ssyncadd.s32 $0xFFFFFF00  }
0x13a: {  	[tilespmem:s25], [sflag:$0x1] =	stream.indirect.gather [hbm4b:s0+s31], $0x80, s29, s31, $0xb8;
	[tilespmem:$0x1D580] =	vst v63  }
0x13b: {  	_ =	swait.ge [sflag:s1], $0x4000  }
0x13c: {  	[sflag:s1] =	ssyncset.done $0x0  }
0x13d: {  	[sflag:s1] =	ssyncadd.s32 $0xFFFFC000  }
0x13e: {  	v2 =	vld [tilespmem:$0x14300]  }
0x13f: {  	v3 =	vld [tilespmem:$0x14310]  }
0x140: {  	v56 =	vld [tilespmem:$0x14320]  }
0x141: {  	v57 =	vld [tilespmem:$0x14330]  }
0x142: {  	v58 =	vld [tilespmem:$0x14340]  }
0x143: {  	v59 =	vld [tilespmem:$0x14370];
	[tilespmem:$0x14480] =	vst v2  }
0x144: {  	v2 =	vld [tilespmem:$0x14350];
	[tilespmem:$0x14490] =	vst v3  }
0x145: {  	v3 =	vld [tilespmem:$0x14360];
	[tilespmem:$0x144A0] =	vst v56  }
0x146: {  	[tilespmem:$0x144B0] =	vst v57  }
0x147: {  	[tilespmem:$0x144C0] =	vst v58  }
0x148: {  	[tilespmem:$0x144F0] =	vst v59  }
0x149: {  	[tilespmem:$0x144D0] =	vst v2  }
0x14a: {  	[tilespmem:$0x144E0] =	vst v3  }
0x14b: {  	[spmem:s3] =	stream.indirect.scatter.add.f32 [tilespmem:s25], [sflag:$0x3], $0x80, s28, s31, $0xb8;
	[tilespmem:$0x1D580] =	vst v63  }
0x14c: {  	_ = 	snop  }
0x14d: {  	[spmem:s4] =	stream.indirect.scatter.add.f32 [tilespmem:s7], [sflag:$0x5], $0x1, s28, s31, $0xb8;
	[tilespmem:$0x1D580] =	vst v63  }
0x14e: {  	_ =	swait.ge [sflag:s17], $0x4000  }
0x14f: {  	[sflag:s17] =	ssyncset.done $0x0  }
0x150: {  	[sflag:s17] =	ssyncadd.s32 $0xFFFFC000  }
0x151: {  	_ =	swait.ge [sflag:s18], $0x80  }
0x152: {  	[sflag:s18] =	ssyncset.done $0x0  }
0x153: {  	[sflag:s18] =	ssyncadd.s32 $0xFFFFFF80  }
0x154: {  	_ =	swait.ge [sflag:s8], $0x100  }
0x155: {  	[sflag:s8] =	ssyncset.done $0x0  }
0x156: {  	[sflag:s8] =	ssyncadd.s32 $0xFFFFFF00  }
0x157: {  	[tilespmem:s9], [sflag:$0x2] =	stream.indirect.gather [hbm4b:s0+s31], $0x80, s2, s31, $0xb8;
	[tilespmem:$0x1D580] =	vst v63  }
0x158: {  	_ =	swait.ge [sflag:s10], $0x4000  }
0x159: {  	[sflag:s10] =	ssyncset.done $0x0  }
0x15a: {  	[sflag:s10] =	ssyncadd.s32 $0xFFFFC000  }
0x15b: {  	v2 =	vld [tilespmem:$0x14400]  }
0x15c: {  	v3 =	vld [tilespmem:$0x14410]  }
0x15d: {  	v60 =	vld [tilespmem:$0x14420]  }
0x15e: {  	v61 =	vld [tilespmem:$0x14430]  }
0x15f: {  	v62 =	vld [tilespmem:$0x14440]  }
0x160: {  	v63 =	vld [tilespmem:$0x14470];
	[tilespmem:$0x14500] =	vst v2  }
0x161: {  	v2 =	vld [tilespmem:$0x14450];
	[tilespmem:$0x14510] =	vst v3  }
0x162: {  	v3 =	vld [tilespmem:$0x14460];
	[tilespmem:$0x14520] =	vst v60  }
0x163: {  	[tilespmem:$0x14530] =	vst v61  }
0x164: {  	[tilespmem:$0x14540] =	vst v62  }
0x165: {  	[tilespmem:$0x14570] =	vst v63  }
0x166: {  	[tilespmem:$0x14550] =	vst v2  }
0x167: {  	[tilespmem:$0x14560] =	vst v3  }
0x168: {  	[spmem:s3] =	stream.indirect.scatter.add.f32 [tilespmem:s9], [sflag:$0x4], $0x80, s12, s31, $0xb8;
	[tilespmem:$0x1D580] =	vst v63  }
0x169: {  	_ = 	snop  }
0x16a: {  	[spmem:s4] =	stream.indirect.scatter.add.f32 [tilespmem:s7], [sflag:$0x6], $0x1, s12, s31, $0xb8;
	[tilespmem:$0x1D580] =	vst v63  }
0x16b: {  	_ =	swait.ge [sflag:s13], $0x4000  }
0x16c: {  	[sflag:s13] =	ssyncset.done $0x0  }
0x16d: {  	[sflag:s13] =	ssyncadd.s32 $0xFFFFC000  }
0x16e: {  	_ =	swait.ge [sflag:s16], $0x80  }
0x16f: {  	[sflag:s16] =	ssyncset.done $0x0  }
0x170: {  	[sflag:s16] =	ssyncadd.s32 $0xFFFFFF80  }
0x171: {  	_ =	swait.ge [sflag:s17], $0x4000  }
0x172: {  	[sflag:s17] =	ssyncset.done $0x0  }
0x173: {  	[sflag:s17] =	ssyncadd.s32 $0xFFFFC000  }
0x174: {  	_ =	swait.ge [sflag:s18], $0x80  }
0x175: {  	[sflag:s18] =	ssyncset.done $0x0  }
0x176: {  	s15 =	simm.s32 $0x1C580;
	s22 =	rddreg [dreg:$0x12];
	[sflag:s18] =	ssyncadd.s32 $0xFFFFFF80  }
0x177: {  	[tilespmem:s15], [sflag:$0x9] =	stream.linear.gather [hbm4b:s22+s5], $0x400, $0x38;
	[tilespmem:$0x1D580] =	vst v63  }
0x178: {  	_ =	swait.ge [sflag:s26], $0x400  }
0x179: {  	[sflag:s26] =	ssyncset.done $0x0  }
0x17a: {  	s20 =	rddreg [dreg:$0xe];
	[sflag:s26] =	ssyncadd.s32 $0xFFFFFC00  }
0x17b: {  	v2 =	vld [tilespmem:s20+$0x1C580];
	_ =	sdelay $0x4  }
0x17c: {  	s22 =	rddreg [dreg:$0x13];
	[tilespmem:$0x1C980] =	vst v2  }
0x17d: {  	v2 =	vld [tilespmem:s22+$0x80];
	_ =	sdelay $0x4  }
0x17e: {  	s15 =	simm.s32 $0x1C980;
	s20 =	simm.s32 $0x1CA80;
	[tilespmem:$0x1CA00] =	vst v2  }
0x17f: {  	[tilespmem:s20], [sflag:$0x9] =	stream.indirect.gather [hbm4b:s0+s19], $0x80, s15, s19, $0xb8;
	[tilespmem:$0x1D580] =	vst v63  }
0x180: {  	_ =	swait.ge [sflag:s26], $0x800  }
0x181: {  	[sflag:s26] =	ssyncset.done $0x0  }
0x182: {  	s22 =	simm.s32 $0x1CA00;
	[sflag:s26] =	ssyncadd.s32 $0xFFFFF800  }
0x183: {  	[spmem:s3] =	stream.indirect.scatter.add.f32 [tilespmem:s20], [sflag:$0x9], $0x80, s22, s19, $0xb8;
	[tilespmem:$0x1D580] =	vst v63  }
0x184: {  	_ =	swait.ge [sflag:s26], $0x800  }
0x185: {  	[sflag:s26] =	ssyncset.done $0x0  }
0x186: {  	[sflag:s26] =	ssyncadd.s32 $0xFFFFF800  }
0x187: {  	[spmem:s4] =	stream.indirect.scatter.add.f32 [tilespmem:s7], [sflag:$0x9], $0x1, s22, s19, $0xb8;
	[tilespmem:$0x1D580] =	vst v63  }
0x188: {  	_ =	swait.ge [sflag:s26], $0x10  }
0x189: {  	[sflag:s26] =	ssyncset.done $0x0  }
0x18a: {  	[sflag:s26] =	ssyncadd.s32 $0xFFFFFFF0  }
0x18b: {  	[bflag:$0x0] =	sbarrier.arrive $0xFFFF  }
0x18c: {  	s20 =	rddreg [dreg:$0xd]  }
0x18d: {  	s22 =	sshrl.u32 s6, $0x3;
	s14 =	sor.u32 $0x1C09, s20;
	s20 =	rddreg [dreg:$0x14]  }
0x18e: {  	[hbm:s20], [sflag:s14] =	dma.local [spmem:s22], $0x2800  }
0x18f: {  	_ =	swait.ge [sflag:s26], $0x2800  }
0x190: {  	s15 =	sshrl.u32 s11, $0x3;
	[sflag:s26] =	ssyncset.done $0x0  }
0x191: {  	s22 =	simm.s32 $0x20;
	s20 =	rddreg [dreg:$0x11];
	[sflag:s26] =	ssyncadd.s32 $0xFFFFD800  }
0x192: {  	[hbm:s20@s22], [sflag:s14] =	dma.strided [spmem:s15@s19], $0x50, s1, $0x10   }
0x193: {  	_ =	swait.ge [sflag:s26], $0x50  }
0x194: {  	s21 =	sadd.s32 $0x1, s21;
	s22 =	rddreg [dreg:$0x15]  }
0x195: {  	p0 =	sne.s32 s21, s22  }
.Ltmp2:
0x196: {  	_ = 	snop;
	(pc) =	sbr.rel @p0 .LBB2_1-.Ltmp2, $3  }
0x197: {  	_ =	sdelay $0x1  }
0x198: {  	[sflag:s26] =	ssyncset.done $0x0  }
0x199: {  	[sflag:s26] =	ssyncadd.s32 $0xFFFFFFB0  }
0x19a: {  	_ =	sfence.sel $0x180000  }
0x19b: {  	[bflag:$0x0] =	sbarrier.arrive $0xFFFF  }
0x19c: {  	_ =	strace $0x90000047  }
0x19d: {  	s0 =	stileid.u32;
	[bflag:$0x2] =	sbarrier.arrive $0xFFFF  }
0x19e: {  	p0 =	sne.s32 s0, $0x0;
	s0 =	rddreg [dreg:$0x6]  }
0x19f: {  	s0 =	sadd.s32 @!p0 $0x100000, s0  }
0x1a0: {  	[sflag:s0] =	ssyncadd.tile.s32 @!p0 $0x1;
	_ =	shalt  }
.Lfunc_end2:
_tile_overlayer_lowered:
.L_overlay_start_2:
0x1a1: {  	(tag) =	ssettag $0x2  }
0x1a2: {  	s0 =	rddreg [dreg:$0x0];
	s2 =	stileid.u32  }
0x1a3: {  	s1 =	rddreg [dreg:$0x1];
	p0 =	sne.s32 s2, $0x0  }
0x1a4: {  	s3 =	rddreg [dreg:$0x2];
	[bflag:$0x3] =	sbarrier.arrive $0xFFFF;
	s2 =	simm.s32 @!p0 $0x1C09  }
0x1a5: {  	[timem:s3], [sflag:s2] =	dma.local @!p0 [hbm:s0], s1  }
0x1a6: {  	s0 =	simm.s32 @!p0 $0x9  }
0x1a7: {  	_ =	swait.ge @!p0 [sflag:s0], s1  }
0x1a8: {  	s1 =	ssub.s32 @!p0 $0x0, s1;
	[sflag:s0] =	ssyncset.done @!p0 $0x0  }
0x1a9: {  	[sflag:s0] =	ssyncadd.s32 @!p0 s1  }
0x1aa: {  	[bflag:$0x3] =	sbarrier.arrive $0xFFFF  }
0x1ab: {  	_ =	shalt  }

</sc_bundles>
